<compile_context>
chip_gen: v7x
topology: tpu7x:2x2x1
jax: 0.10.2.dev20260603
libtpu: 0.0.44.dev20260713+nightly
codegen_flags: <defaults>
</compile_context>

<pallas_src>
import functools

import jax
import jax.numpy as jnp
import numpy as np
from jax import lax
from jax.experimental import pallas as pl
from jax.experimental.pallas import tpu as pltpu
from jax.experimental.pallas import tpu_sc as plsc

TOTAL = 2048
SHUFFLE_NUM = 1024
ROWS = 4 * 4096
NUM_WORKERS = 32
ROWS_PER_WORKER = ROWS // NUM_WORKERS
CHUNK_ROWS = 8
CHUNKS = ROWS_PER_WORKER // CHUNK_ROWS
NBUF = 3
MAIN = (CHUNKS // NBUF) * NBUF
REM = CHUNKS - MAIN
LANES = 16
GROUPS = TOTAL // LANES


def _perm_index():
    with jax.default_device(jax.local_devices(backend="cpu")[0]):
        pkey = jax.random.key(42)
        perm = jax.random.permutation(pkey, TOTAL)
        random_sort = perm[:SHUFFLE_NUM]
        random_index = jnp.sort(random_sort)
        index = jnp.arange(TOTAL, dtype=jnp.int32)
        index = index.at[random_index].set(random_sort.astype(jnp.int32))
        return np.asarray(index)


_IDX_NP = _perm_index()


def _body(x_hbm, idx_hbm, out_hbm, idx_v, *refs):
    ins = refs[0:NBUF]
    outs = refs[NBUF:2 * NBUF]
    isems = refs[2 * NBUF:3 * NBUF]
    osems = refs[3 * NBUF:4 * NBUF]
    wid = lax.axis_index("c") * 16 + lax.axis_index("s")
    row0 = wid * ROWS_PER_WORKER

    def in_copy(c, b):
        return pltpu.make_async_copy(
            x_hbm.at[pl.ds(row0 + c * CHUNK_ROWS, CHUNK_ROWS)], ins[b], isems[b])

    def out_copy(c, b):
        return pltpu.make_async_copy(
            outs[b], out_hbm.at[pl.ds(row0 + c * CHUNK_ROWS, CHUNK_ROWS)], osems[b])

    def compute(b):
        in_v, out_v = ins[b], outs[b]

        @plsc.parallel_loop(0, GROUPS, unroll=8)
        def _(g):
            col = g * LANES
            iv = idx_v[pl.ds(col, LANES)]
            for r in range(CHUNK_ROWS):
                rv = jnp.full((LANES,), r, jnp.int32)
                vals = plsc.load_gather(in_v, [rv, iv])
                out_v[r, pl.ds(col, LANES)] = vals

    for c in range(NBUF - 1):
        in_copy(c, c).start()
    pltpu.sync_copy(idx_hbm, idx_v)

    def ring_body(p, carry):
        c0 = p * NBUF
        for b in range(NBUF):
            c = c0 + b

            @pl.when(c + NBUF - 1 < CHUNKS)
            def _():
                in_copy(c + NBUF - 1, (b + NBUF - 1) % NBUF).start()

            in_copy(c, b).wait()

            @pl.when(c >= NBUF)
            def _():
                out_copy(c - NBUF, b).wait()

            compute(b)
            out_copy(c, b).start()
        return carry

    lax.fori_loop(0, MAIN // NBUF, ring_body, 0)
    for c in range(MAIN, CHUNKS):
        b = c % NBUF
        in_copy(c, b).wait()
        out_copy(c - NBUF, b).wait()
        compute(b)
        out_copy(c, b).start()
    for c in range(CHUNKS - NBUF, CHUNKS):
        out_copy(c, c % NBUF).wait()


@jax.jit
def _shuffle(x2, idx):
    mesh = plsc.VectorSubcoreMesh(core_axis_name="c", subcore_axis_name="s")
    k = functools.partial(
        pl.kernel,
        mesh=mesh,
        out_type=jax.ShapeDtypeStruct((ROWS, TOTAL), jnp.float32),
        scratch_types=(
            [pltpu.VMEM((TOTAL,), jnp.int32)]
            + [pltpu.VMEM((CHUNK_ROWS, TOTAL), jnp.float32)] * (2 * NBUF)
            + [pltpu.SemaphoreType.DMA] * (2 * NBUF)
        ),
        compiler_params=pltpu.CompilerParams(needs_layout_passes=False),
    )(_body)
    return k(x2, idx)


def kernel(input):
    idx = jnp.asarray(_IDX_NP)
    out2 = _shuffle(input.reshape(ROWS, TOTAL), idx)
    return out2.reshape(input.shape)

# --- scband reference (transcript-rebuilt; emitter-appended) ---
"""Pipeline reference for scband-shuffle-and-retrieve-41266045780424 (READ-ONLY COPY).

The authoritative reference and input builder live on the scoring server;
editing this copy changes nothing except your own understanding.
"""

import jax, jax.numpy as jnp
import numpy as np

SHUFFLE_NUM = 1024

def setup_inputs(seed: int = 0) -> dict:
    key = jax.random.key(seed)
    x = jax.random.normal(key, (4, 4096, 2048), dtype=jnp.float32)
    return {"input": x}

def reference(input):
    total = input.shape[2]
    # torch.randperm is nondeterministic; here we use a fixed key for reproducibility
    pkey = jax.random.key(42)
    perm = jax.random.permutation(pkey, total)
    random_sort = perm[:SHUFFLE_NUM]
    random_index = jnp.sort(random_sort)
    index = jnp.arange(total, dtype=jnp.int64 if jax.config.jax_enable_x64 else jnp.int32)
    index = index.at[random_index].set(random_sort.astype(index.dtype))
    return input[:, :, index]

if __name__ == "__main__":
    import jax
    _d = setup_inputs()
    print(jax.jit(kernel)(*tuple(_d.values())))

</pallas_src>

<mosaic_0001>
#map = affine_map<(d0, d1) -> (0, 0)>
#map1 = affine_map<(d0, d1) -> (0)>
module attributes {stable_mosaic.version = 14 : i64} {
  func.func @_body(%arg0: i32, %arg1: i32, %arg2: memref<16384x2048xf32, #tpu.memory_space<hbm>>, %arg3: memref<2048xi32, #tpu.memory_space<hbm>>, %arg4: memref<16384x2048xf32, #tpu.memory_space<hbm>>, %arg5: memref<2048xi32, #tpu.memory_space<vmem>>, %arg6: memref<8x2048xf32, #tpu.memory_space<vmem>>, %arg7: memref<8x2048xf32, #tpu.memory_space<vmem>>, %arg8: memref<8x2048xf32, #tpu.memory_space<vmem>>, %arg9: memref<8x2048xf32, #tpu.memory_space<vmem>>, %arg10: memref<8x2048xf32, #tpu.memory_space<vmem>>, %arg11: memref<8x2048xf32, #tpu.memory_space<vmem>>, %arg12: memref<!tpu.dma_semaphore, #tpu.memory_space<semaphore_mem>>, %arg13: memref<!tpu.dma_semaphore, #tpu.memory_space<semaphore_mem>>, %arg14: memref<!tpu.dma_semaphore, #tpu.memory_space<semaphore_mem>>, %arg15: memref<!tpu.dma_semaphore, #tpu.memory_space<semaphore_mem>>, %arg16: memref<!tpu.dma_semaphore, #tpu.memory_space<semaphore_mem>>, %arg17: memref<!tpu.dma_semaphore, #tpu.memory_space<semaphore_mem>>) attributes {dimension_semantics = [#tpu.dimension_semantics<core_parallel>, #tpu.dimension_semantics<subcore_parallel>], iteration_bounds = array<i64: 2, 16>, scalar_prefetch = 0 : i64, scratch_operands = 13 : i64, tpu.core_type = #tpu.core_type<sc_vector_subcore>, window_params = [{transform_indices = #map}, {transform_indices = #map1}, {transform_indices = #map}]} {
    %mul3A = arith.constant 16 : i32
    %mul3A_0 = arith.muli %arg0, %mul3A : i32
    %add3A = arith.addi %mul3A_0, %arg1 : i32
    %mul3A_1 = arith.constant 512 : i32
    %mul3A_2 = arith.muli %add3A, %mul3A_1 : i32
    %add3A_3 = arith.constant 0 : i32
    %add3A_4 = arith.addi %mul3A_2, %add3A_3 : i32
    %dma_start3A = arith.constant 0 : i32
    %dma_start3A_5 = tpu.memref_slice %arg2[%add3A_4, %dma_start3A] : memref<16384x2048xf32, #tpu.memory_space<hbm>> -> memref<8x2048xf32, #tpu.memory_space<hbm>>
    %dma_start3A_6 = arith.constant 0 : i32
    %dma_start3A_7 = tpu.memref_slice %arg2[%add3A_4, %dma_start3A_6] : memref<16384x2048xf32, #tpu.memory_space<hbm>> -> memref<8x2048xf32, #tpu.memory_space<hbm>>
    tpu.enqueue_dma source(%dma_start3A_7 : memref<8x2048xf32, #tpu.memory_space<hbm>>) target(%arg6 : memref<8x2048xf32, #tpu.memory_space<vmem>>) target_semaphore(%arg12 : memref<!tpu.dma_semaphore, #tpu.memory_space<semaphore_mem>>)
    %add3A_8 = arith.constant 8 : i32
    %add3A_9 = arith.addi %mul3A_2, %add3A_8 : i32
    %dma_start3A_10 = arith.constant 0 : i32
    %dma_start3A_11 = tpu.memref_slice %arg2[%add3A_9, %dma_start3A_10] : memref<16384x2048xf32, #tpu.memory_space<hbm>> -> memref<8x2048xf32, #tpu.memory_space<hbm>>
    %dma_start3A_12 = arith.constant 0 : i32
    %dma_start3A_13 = tpu.memref_slice %arg2[%add3A_9, %dma_start3A_12] : memref<16384x2048xf32, #tpu.memory_space<hbm>> -> memref<8x2048xf32, #tpu.memory_space<hbm>>
    tpu.enqueue_dma source(%dma_start3A_13 : memref<8x2048xf32, #tpu.memory_space<hbm>>) target(%arg7 : memref<8x2048xf32, #tpu.memory_space<vmem>>) target_semaphore(%arg13 : memref<!tpu.dma_semaphore, #tpu.memory_space<semaphore_mem>>)
    "tpu.region"() ({
      %run_scoped3A = tpu.sem_alloc : memref<!tpu.dma_semaphore, #tpu.memory_space<semaphore_mem>>
      tpu.enqueue_dma source(%arg3 : memref<2048xi32, #tpu.memory_space<hbm>>) target(%arg5 : memref<2048xi32, #tpu.memory_space<vmem>>) target_semaphore(%run_scoped3A : memref<!tpu.dma_semaphore, #tpu.memory_space<semaphore_mem>>)
      tpu.wait_dma2 semaphore(%run_scoped3A : memref<!tpu.dma_semaphore, #tpu.memory_space<semaphore_mem>>) src(%arg3 : memref<2048xi32, #tpu.memory_space<hbm>>) dst(%arg5 : memref<2048xi32, #tpu.memory_space<vmem>>)
      tpu.yield
    }) : () -> ()
    %scan3A = arith.constant 0 : i32
    %scan3A_14 = arith.constant 0 : i32
    %scan3A_15 = arith.constant 21 : i32
    %scan3A_16 = arith.addi %scan3A_14, %scan3A_15 : i32
    %scan3A_17 = arith.constant 1 : i32
    scf.for %scan3A_56 = %scan3A_14 to %scan3A_16 step %scan3A_17  : i32 {
      %mul3A_57 = arith.constant 3 : i32
      %mul3A_58 = arith.muli %scan3A_56, %mul3A_57 : i32
      %add3A_59 = arith.constant 0 : i32
      %add3A_60 = arith.addi %mul3A_58, %add3A_59 : i32
      %add3A_61 = arith.constant 3 : i32
      %add3A_62 = arith.addi %add3A_60, %add3A_61 : i32
      %sub3A = arith.constant 1 : i32
      %sub3A_63 = arith.subi %add3A_62, %sub3A : i32
      %lt3A = arith.constant 64 : i32
      %lt3A_64 = arith.cmpi slt, %sub3A_63, %lt3A : i32
      %convert_element_type3A = arith.extui %lt3A_64 : i1 to i32
      %cond3A = arith.constant 0 : i32
      %cond3A_65 = arith.cmpi ne, %convert_element_type3A, %cond3A : i32
      scf.if %cond3A_65 {
        %add3A_153 = arith.constant 3 : i32
        %add3A_154 = arith.addi %add3A_60, %add3A_153 : i32
        %sub3A_155 = arith.constant 1 : i32
        %sub3A_156 = arith.subi %add3A_154, %sub3A_155 : i32
        %mul3A_157 = arith.constant 8 : i32
        %mul3A_158 = arith.muli %sub3A_156, %mul3A_157 : i32
        %add3A_159 = arith.addi %mul3A_2, %mul3A_158 : i32
        %dma_start3A_160 = arith.constant 0 : i32
        %dma_start3A_161 = tpu.memref_slice %arg2[%add3A_159, %dma_start3A_160] : memref<16384x2048xf32, #tpu.memory_space<hbm>> -> memref<8x2048xf32, #tpu.memory_space<hbm>>
        %dma_start3A_162 = arith.constant 0 : i32
        %dma_start3A_163 = tpu.memref_slice %arg2[%add3A_159, %dma_start3A_162] : memref<16384x2048xf32, #tpu.memory_space<hbm>> -> memref<8x2048xf32, #tpu.memory_space<hbm>>
        tpu.enqueue_dma source(%dma_start3A_163 : memref<8x2048xf32, #tpu.memory_space<hbm>>) target(%arg8 : memref<8x2048xf32, #tpu.memory_space<vmem>>) target_semaphore(%arg14 : memref<!tpu.dma_semaphore, #tpu.memory_space<semaphore_mem>>)
      } else {
      }
      %mul3A_66 = arith.constant 8 : i32
      %mul3A_67 = arith.muli %add3A_60, %mul3A_66 : i32
      %add3A_68 = arith.addi %mul3A_2, %mul3A_67 : i32
      %dma_wait3A_69 = arith.constant 0 : i32
      %dma_wait3A_70 = tpu.memref_slice %arg2[%add3A_68, %dma_wait3A_69] : memref<16384x2048xf32, #tpu.memory_space<hbm>> -> memref<8x2048xf32, #tpu.memory_space<hbm>>
      %dma_wait3A_71 = arith.constant 0 : i32
      %dma_wait3A_72 = tpu.memref_slice %arg2[%add3A_68, %dma_wait3A_71] : memref<16384x2048xf32, #tpu.memory_space<hbm>> -> memref<8x2048xf32, #tpu.memory_space<hbm>>
      tpu.wait_dma2 semaphore(%arg12 : memref<!tpu.dma_semaphore, #tpu.memory_space<semaphore_mem>>) src(%dma_wait3A_72 : memref<8x2048xf32, #tpu.memory_space<hbm>>) dst(%arg6 : memref<8x2048xf32, #tpu.memory_space<vmem>>)
      %ge3A = arith.constant 3 : i32
      %ge3A_73 = arith.cmpi sge, %add3A_60, %ge3A : i32
      %convert_element_type3A_74 = arith.extui %ge3A_73 : i1 to i32
      %cond3A_75 = arith.constant 0 : i32
      %cond3A_76 = arith.cmpi ne, %convert_element_type3A_74, %cond3A_75 : i32
      scf.if %cond3A_76 {
        %sub3A_153 = arith.constant 3 : i32
        %sub3A_154 = arith.subi %add3A_60, %sub3A_153 : i32
        %mul3A_155 = arith.constant 8 : i32
        %mul3A_156 = arith.muli %sub3A_154, %mul3A_155 : i32
        %add3A_157 = arith.addi %mul3A_2, %mul3A_156 : i32
        %dma_wait3A_158 = arith.constant 0 : i32
        %dma_wait3A_159 = tpu.memref_slice %arg4[%add3A_157, %dma_wait3A_158] : memref<16384x2048xf32, #tpu.memory_space<hbm>> -> memref<8x2048xf32, #tpu.memory_space<hbm>>
        %dma_wait3A_160 = arith.constant 0 : i32
        %dma_wait3A_161 = tpu.memref_slice %arg4[%add3A_157, %dma_wait3A_160] : memref<16384x2048xf32, #tpu.memory_space<hbm>> -> memref<8x2048xf32, #tpu.memory_space<hbm>>
        tpu.wait_dma2 semaphore(%arg15 : memref<!tpu.dma_semaphore, #tpu.memory_space<semaphore_mem>>) src(%arg9 : memref<8x2048xf32, #tpu.memory_space<vmem>>) dst(%dma_wait3A_161 : memref<8x2048xf32, #tpu.memory_space<hbm>>)
      } else {
      }
      %parallel_loop3A_77 = arith.constant 0 : i32
      %parallel_loop3A_78 = arith.constant 128 : i32
      %parallel_loop3A_79 = arith.constant 1 : i32
      scf.for %parallel_loop3A_153 = %parallel_loop3A_77 to %parallel_loop3A_78 step %parallel_loop3A_79  : i32 {
        %parallel_loop3A_154 = arith.constant 16 : i32
        %parallel_loop3A_155 = arith.muli %parallel_loop3A_153, %parallel_loop3A_154 : i32
        %parallel_loop3A_156 = arith.index_cast %parallel_loop3A_155 : i32 to index
        %parallel_loop3A_157 = tpu.vector_load %arg5[%parallel_loop3A_156] {strides = array<i32>} : memref<2048xi32, #tpu.memory_space<vmem>>, vector<16xi32>,
        %parallel_loop3A_158 = arith.constant 0 : i32
        %parallel_loop3A_159 = vector.broadcast %parallel_loop3A_158 : i32 to vector<16xi32>
        %parallel_loop3A_160 = tpu.vector_load_idx %arg6[%parallel_loop3A_159, %parallel_loop3A_157] : memref<8x2048xf32, #tpu.memory_space<vmem>>[vector<16xi32>, vector<16xi32>], vector<16xf32>,
        %parallel_loop3A_161 = arith.constant 0 : i32
        %parallel_loop3A_162 = arith.index_cast %parallel_loop3A_161 : i32 to index
        %parallel_loop3A_163 = arith.index_cast %parallel_loop3A_155 : i32 to index
        %parallel_loop3A_164 = tpu.vector_load %arg9[%parallel_loop3A_162, %parallel_loop3A_163] {strides = array<i32>} : memref<8x2048xf32, #tpu.memory_space<vmem>>, vector<16xf32>,
        tpu.vector_store %arg9[%parallel_loop3A_162, %parallel_loop3A_163], %parallel_loop3A_160 {strides = array<i32>} : memref<8x2048xf32, #tpu.memory_space<vmem>>, vector<16xf32>,
        %parallel_loop3A_165 = arith.constant 1 : i32
        %parallel_loop3A_166 = vector.broadcast %parallel_loop3A_165 : i32 to vector<16xi32>
        %parallel_loop3A_167 = tpu.vector_load_idx %arg6[%parallel_loop3A_166, %parallel_loop3A_157] : memref<8x2048xf32, #tpu.memory_space<vmem>>[vector<16xi32>, vector<16xi32>], vector<16xf32>,
        %parallel_loop3A_168 = arith.constant 1 : i32
        %parallel_loop3A_169 = arith.index_cast %parallel_loop3A_168 : i32 to index
        %parallel_loop3A_170 = arith.index_cast %parallel_loop3A_155 : i32 to index
        %parallel_loop3A_171 = tpu.vector_load %arg9[%parallel_loop3A_169, %parallel_loop3A_170] {strides = array<i32>} : memref<8x2048xf32, #tpu.memory_space<vmem>>, vector<16xf32>,
        tpu.vector_store %arg9[%parallel_loop3A_169, %parallel_loop3A_170], %parallel_loop3A_167 {strides = array<i32>} : memref<8x2048xf32, #tpu.memory_space<vmem>>, vector<16xf32>,
        %parallel_loop3A_172 = arith.constant 2 : i32
        %parallel_loop3A_173 = vector.broadcast %parallel_loop3A_172 : i32 to vector<16xi32>
        %parallel_loop3A_174 = tpu.vector_load_idx %arg6[%parallel_loop3A_173, %parallel_loop3A_157] : memref<8x2048xf32, #tpu.memory_space<vmem>>[vector<16xi32>, vector<16xi32>], vector<16xf32>,
        %parallel_loop3A_175 = arith.constant 2 : i32
        %parallel_loop3A_176 = arith.index_cast %parallel_loop3A_175 : i32 to index
        %parallel_loop3A_177 = arith.index_cast %parallel_loop3A_155 : i32 to index
        %parallel_loop3A_178 = tpu.vector_load %arg9[%parallel_loop3A_176, %parallel_loop3A_177] {strides = array<i32>} : memref<8x2048xf32, #tpu.memory_space<vmem>>, vector<16xf32>,
        tpu.vector_store %arg9[%parallel_loop3A_176, %parallel_loop3A_177], %parallel_loop3A_174 {strides = array<i32>} : memref<8x2048xf32, #tpu.memory_space<vmem>>, vector<16xf32>,
        %parallel_loop3A_179 = arith.constant 3 : i32
        %parallel_loop3A_180 = vector.broadcast %parallel_loop3A_179 : i32 to vector<16xi32>
        %parallel_loop3A_181 = tpu.vector_load_idx %arg6[%parallel_loop3A_180, %parallel_loop3A_157] : memref<8x2048xf32, #tpu.memory_space<vmem>>[vector<16xi32>, vector<16xi32>], vector<16xf32>,
        %parallel_loop3A_182 = arith.constant 3 : i32
        %parallel_loop3A_183 = arith.index_cast %parallel_loop3A_182 : i32 to index
        %parallel_loop3A_184 = arith.index_cast %parallel_loop3A_155 : i32 to index
        %parallel_loop3A_185 = tpu.vector_load %arg9[%parallel_loop3A_183, %parallel_loop3A_184] {strides = array<i32>} : memref<8x2048xf32, #tpu.memory_space<vmem>>, vector<16xf32>,
        tpu.vector_store %arg9[%parallel_loop3A_183, %parallel_loop3A_184], %parallel_loop3A_181 {strides = array<i32>} : memref<8x2048xf32, #tpu.memory_space<vmem>>, vector<16xf32>,
        %parallel_loop3A_186 = arith.constant 4 : i32
        %parallel_loop3A_187 = vector.broadcast %parallel_loop3A_186 : i32 to vector<16xi32>
        %parallel_loop3A_188 = tpu.vector_load_idx %arg6[%parallel_loop3A_187, %parallel_loop3A_157] : memref<8x2048xf32, #tpu.memory_space<vmem>>[vector<16xi32>, vector<16xi32>], vector<16xf32>,
        %parallel_loop3A_189 = arith.constant 4 : i32
        %parallel_loop3A_190 = arith.index_cast %parallel_loop3A_189 : i32 to index
        %parallel_loop3A_191 = arith.index_cast %parallel_loop3A_155 : i32 to index
        %parallel_loop3A_192 = tpu.vector_load %arg9[%parallel_loop3A_190, %parallel_loop3A_191] {strides = array<i32>} : memref<8x2048xf32, #tpu.memory_space<vmem>>, vector<16xf32>,
        tpu.vector_store %arg9[%parallel_loop3A_190, %parallel_loop3A_191], %parallel_loop3A_188 {strides = array<i32>} : memref<8x2048xf32, #tpu.memory_space<vmem>>, vector<16xf32>,
        %parallel_loop3A_193 = arith.constant 5 : i32
        %parallel_loop3A_194 = vector.broadcast %parallel_loop3A_193 : i32 to vector<16xi32>
        %parallel_loop3A_195 = tpu.vector_load_idx %arg6[%parallel_loop3A_194, %parallel_loop3A_157] : memref<8x2048xf32, #tpu.memory_space<vmem>>[vector<16xi32>, vector<16xi32>], vector<16xf32>,
        %parallel_loop3A_196 = arith.constant 5 : i32
        %parallel_loop3A_197 = arith.index_cast %parallel_loop3A_196 : i32 to index
        %parallel_loop3A_198 = arith.index_cast %parallel_loop3A_155 : i32 to index
        %parallel_loop3A_199 = tpu.vector_load %arg9[%parallel_loop3A_197, %parallel_loop3A_198] {strides = array<i32>} : memref<8x2048xf32, #tpu.memory_space<vmem>>, vector<16xf32>,
        tpu.vector_store %arg9[%parallel_loop3A_197, %parallel_loop3A_198], %parallel_loop3A_195 {strides = array<i32>} : memref<8x2048xf32, #tpu.memory_space<vmem>>, vector<16xf32>,
        %parallel_loop3A_200 = arith.constant 6 : i32
        %parallel_loop3A_201 = vector.broadcast %parallel_loop3A_200 : i32 to vector<16xi32>
        %parallel_loop3A_202 = tpu.vector_load_idx %arg6[%parallel_loop3A_201, %parallel_loop3A_157] : memref<8x2048xf32, #tpu.memory_space<vmem>>[vector<16xi32>, vector<16xi32>], vector<16xf32>,
        %parallel_loop3A_203 = arith.constant 6 : i32
        %parallel_loop3A_204 = arith.index_cast %parallel_loop3A_203 : i32 to index
        %parallel_loop3A_205 = arith.index_cast %parallel_loop3A_155 : i32 to index
        %parallel_loop3A_206 = tpu.vector_load %arg9[%parallel_loop3A_204, %parallel_loop3A_205] {strides = array<i32>} : memref<8x2048xf32, #tpu.memory_space<vmem>>, vector<16xf32>,
        tpu.vector_store %arg9[%parallel_loop3A_204, %parallel_loop3A_205], %parallel_loop3A_202 {strides = array<i32>} : memref<8x2048xf32, #tpu.memory_space<vmem>>, vector<16xf32>,
        %parallel_loop3A_207 = arith.constant 7 : i32
        %parallel_loop3A_208 = vector.broadcast %parallel_loop3A_207 : i32 to vector<16xi32>
        %parallel_loop3A_209 = tpu.vector_load_idx %arg6[%parallel_loop3A_208, %parallel_loop3A_157] : memref<8x2048xf32, #tpu.memory_space<vmem>>[vector<16xi32>, vector<16xi32>], vector<16xf32>,
        %parallel_loop3A_210 = arith.constant 7 : i32
        %parallel_loop3A_211 = arith.index_cast %parallel_loop3A_210 : i32 to index
        %parallel_loop3A_212 = arith.index_cast %parallel_loop3A_155 : i32 to index
        %parallel_loop3A_213 = tpu.vector_load %arg9[%parallel_loop3A_211, %parallel_loop3A_212] {strides = array<i32>} : memref<8x2048xf32, #tpu.memory_space<vmem>>, vector<16xf32>,
        tpu.vector_store %arg9[%parallel_loop3A_211, %parallel_loop3A_212], %parallel_loop3A_209 {strides = array<i32>} : memref<8x2048xf32, #tpu.memory_space<vmem>>, vector<16xf32>,
      } {sc.loop_unroll_factor = 8 : i64, sc.parallel_access}
      %mul3A_80 = arith.constant 8 : i32
      %mul3A_81 = arith.muli %add3A_60, %mul3A_80 : i32
      %add3A_82 = arith.addi %mul3A_2, %mul3A_81 : i32
      %dma_start3A_83 = arith.constant 0 : i32
      %dma_start3A_84 = tpu.memref_slice %arg4[%add3A_82, %dma_start3A_83] : memref<16384x2048xf32, #tpu.memory_space<hbm>> -> memref<8x2048xf32, #tpu.memory_space<hbm>>
      %dma_start3A_85 = arith.constant 0 : i32
      %dma_start3A_86 = tpu.memref_slice %arg4[%add3A_82, %dma_start3A_85] : memref<16384x2048xf32, #tpu.memory_space<hbm>> -> memref<8x2048xf32, #tpu.memory_space<hbm>>
      tpu.enqueue_dma source(%arg9 : memref<8x2048xf32, #tpu.memory_space<vmem>>) target(%dma_start3A_86 : memref<8x2048xf32, #tpu.memory_space<hbm>>) target_semaphore(%arg15 : memref<!tpu.dma_semaphore, #tpu.memory_space<semaphore_mem>>)
      %add3A_87 = arith.constant 1 : i32
      %add3A_88 = arith.addi %mul3A_58, %add3A_87 : i32
      %add3A_89 = arith.constant 3 : i32
      %add3A_90 = arith.addi %add3A_88, %add3A_89 : i32
      %sub3A_91 = arith.constant 1 : i32
      %sub3A_92 = arith.subi %add3A_90, %sub3A_91 : i32
      %lt3A_93 = arith.constant 64 : i32
      %lt3A_94 = arith.cmpi slt, %sub3A_92, %lt3A_93 : i32
      %convert_element_type3A_95 = arith.extui %lt3A_94 : i1 to i32
      %cond3A_96 = arith.constant 0 : i32
      %cond3A_97 = arith.cmpi ne, %convert_element_type3A_95, %cond3A_96 : i32
      scf.if %cond3A_97 {
        %add3A_153 = arith.constant 3 : i32
        %add3A_154 = arith.addi %add3A_88, %add3A_153 : i32
        %sub3A_155 = arith.constant 1 : i32
        %sub3A_156 = arith.subi %add3A_154, %sub3A_155 : i32
        %mul3A_157 = arith.constant 8 : i32
        %mul3A_158 = arith.muli %sub3A_156, %mul3A_157 : i32
        %add3A_159 = arith.addi %mul3A_2, %mul3A_158 : i32
        %dma_start3A_160 = arith.constant 0 : i32
        %dma_start3A_161 = tpu.memref_slice %arg2[%add3A_159, %dma_start3A_160] : memref<16384x2048xf32, #tpu.memory_space<hbm>> -> memref<8x2048xf32, #tpu.memory_space<hbm>>
        %dma_start3A_162 = arith.constant 0 : i32
        %dma_start3A_163 = tpu.memref_slice %arg2[%add3A_159, %dma_start3A_162] : memref<16384x2048xf32, #tpu.memory_space<hbm>> -> memref<8x2048xf32, #tpu.memory_space<hbm>>
        tpu.enqueue_dma source(%dma_start3A_163 : memref<8x2048xf32, #tpu.memory_space<hbm>>) target(%arg6 : memref<8x2048xf32, #tpu.memory_space<vmem>>) target_semaphore(%arg12 : memref<!tpu.dma_semaphore, #tpu.memory_space<semaphore_mem>>)
      } else {
      }
      %mul3A_98 = arith.constant 8 : i32
      %mul3A_99 = arith.muli %add3A_88, %mul3A_98 : i32
      %add3A_100 = arith.addi %mul3A_2, %mul3A_99 : i32
      %dma_wait3A_101 = arith.constant 0 : i32
      %dma_wait3A_102 = tpu.memref_slice %arg2[%add3A_100, %dma_wait3A_101] : memref<16384x2048xf32, #tpu.memory_space<hbm>> -> memref<8x2048xf32, #tpu.memory_space<hbm>>
      %dma_wait3A_103 = arith.constant 0 : i32
      %dma_wait3A_104 = tpu.memref_slice %arg2[%add3A_100, %dma_wait3A_103] : memref<16384x2048xf32, #tpu.memory_space<hbm>> -> memref<8x2048xf32, #tpu.memory_space<hbm>>
      tpu.wait_dma2 semaphore(%arg13 : memref<!tpu.dma_semaphore, #tpu.memory_space<semaphore_mem>>) src(%dma_wait3A_104 : memref<8x2048xf32, #tpu.memory_space<hbm>>) dst(%arg7 : memref<8x2048xf32, #tpu.memory_space<vmem>>)
      %ge3A_105 = arith.constant 3 : i32
      %ge3A_106 = arith.cmpi sge, %add3A_88, %ge3A_105 : i32
      %convert_element_type3A_107 = arith.extui %ge3A_106 : i1 to i32
      %cond3A_108 = arith.constant 0 : i32
      %cond3A_109 = arith.cmpi ne, %convert_element_type3A_107, %cond3A_108 : i32
      scf.if %cond3A_109 {
        %sub3A_153 = arith.constant 3 : i32
        %sub3A_154 = arith.subi %add3A_88, %sub3A_153 : i32
        %mul3A_155 = arith.constant 8 : i32
        %mul3A_156 = arith.muli %sub3A_154, %mul3A_155 : i32
        %add3A_157 = arith.addi %mul3A_2, %mul3A_156 : i32
        %dma_wait3A_158 = arith.constant 0 : i32
        %dma_wait3A_159 = tpu.memref_slice %arg4[%add3A_157, %dma_wait3A_158] : memref<16384x2048xf32, #tpu.memory_space<hbm>> -> memref<8x2048xf32, #tpu.memory_space<hbm>>
        %dma_wait3A_160 = arith.constant 0 : i32
        %dma_wait3A_161 = tpu.memref_slice %arg4[%add3A_157, %dma_wait3A_160] : memref<16384x2048xf32, #tpu.memory_space<hbm>> -> memref<8x2048xf32, #tpu.memory_space<hbm>>
        tpu.wait_dma2 semaphore(%arg16 : memref<!tpu.dma_semaphore, #tpu.memory_space<semaphore_mem>>) src(%arg10 : memref<8x2048xf32, #tpu.memory_space<vmem>>) dst(%dma_wait3A_161 : memref<8x2048xf32, #tpu.memory_space<hbm>>)
      } else {
      }
      %parallel_loop3A_110 = arith.constant 0 : i32
      %parallel_loop3A_111 = arith.constant 128 : i32
      %parallel_loop3A_112 = arith.constant 1 : i32
      scf.for %parallel_loop3A_153 = %parallel_loop3A_110 to %parallel_loop3A_111 step %parallel_loop3A_112  : i32 {
        %parallel_loop3A_154 = arith.constant 16 : i32
        %parallel_loop3A_155 = arith.muli %parallel_loop3A_153, %parallel_loop3A_154 : i32
        %parallel_loop3A_156 = arith.index_cast %parallel_loop3A_155 : i32 to index
        %parallel_loop3A_157 = tpu.vector_load %arg5[%parallel_loop3A_156] {strides = array<i32>} : memref<2048xi32, #tpu.memory_space<vmem>>, vector<16xi32>,
        %parallel_loop3A_158 = arith.constant 0 : i32
        %parallel_loop3A_159 = vector.broadcast %parallel_loop3A_158 : i32 to vector<16xi32>
        %parallel_loop3A_160 = tpu.vector_load_idx %arg7[%parallel_loop3A_159, %parallel_loop3A_157] : memref<8x2048xf32, #tpu.memory_space<vmem>>[vector<16xi32>, vector<16xi32>], vector<16xf32>,
        %parallel_loop3A_161 = arith.constant 0 : i32
        %parallel_loop3A_162 = arith.index_cast %parallel_loop3A_161 : i32 to index
        %parallel_loop3A_163 = arith.index_cast %parallel_loop3A_155 : i32 to index
        %parallel_loop3A_164 = tpu.vector_load %arg10[%parallel_loop3A_162, %parallel_loop3A_163] {strides = array<i32>} : memref<8x2048xf32, #tpu.memory_space<vmem>>, vector<16xf32>,
        tpu.vector_store %arg10[%parallel_loop3A_162, %parallel_loop3A_163], %parallel_loop3A_160 {strides = array<i32>} : memref<8x2048xf32, #tpu.memory_space<vmem>>, vector<16xf32>,
        %parallel_loop3A_165 = arith.constant 1 : i32
        %parallel_loop3A_166 = vector.broadcast %parallel_loop3A_165 : i32 to vector<16xi32>
        %parallel_loop3A_167 = tpu.vector_load_idx %arg7[%parallel_loop3A_166, %parallel_loop3A_157] : memref<8x2048xf32, #tpu.memory_space<vmem>>[vector<16xi32>, vector<16xi32>], vector<16xf32>,
        %parallel_loop3A_168 = arith.constant 1 : i32
        %parallel_loop3A_169 = arith.index_cast %parallel_loop3A_168 : i32 to index
        %parallel_loop3A_170 = arith.index_cast %parallel_loop3A_155 : i32 to index
        %parallel_loop3A_171 = tpu.vector_load %arg10[%parallel_loop3A_169, %parallel_loop3A_170] {strides = array<i32>} : memref<8x2048xf32, #tpu.memory_space<vmem>>, vector<16xf32>,
        tpu.vector_store %arg10[%parallel_loop3A_169, %parallel_loop3A_170], %parallel_loop3A_167 {strides = array<i32>} : memref<8x2048xf32, #tpu.memory_space<vmem>>, vector<16xf32>,
        %parallel_loop3A_172 = arith.constant 2 : i32
        %parallel_loop3A_173 = vector.broadcast %parallel_loop3A_172 : i32 to vector<16xi32>
        %parallel_loop3A_174 = tpu.vector_load_idx %arg7[%parallel_loop3A_173, %parallel_loop3A_157] : memref<8x2048xf32, #tpu.memory_space<vmem>>[vector<16xi32>, vector<16xi32>], vector<16xf32>,
        %parallel_loop3A_175 = arith.constant 2 : i32
        %parallel_loop3A_176 = arith.index_cast %parallel_loop3A_175 : i32 to index
        %parallel_loop3A_177 = arith.index_cast %parallel_loop3A_155 : i32 to index
        %parallel_loop3A_178 = tpu.vector_load %arg10[%parallel_loop3A_176, %parallel_loop3A_177] {strides = array<i32>} : memref<8x2048xf32, #tpu.memory_space<vmem>>, vector<16xf32>,
        tpu.vector_store %arg10[%parallel_loop3A_176, %parallel_loop3A_177], %parallel_loop3A_174 {strides = array<i32>} : memref<8x2048xf32, #tpu.memory_space<vmem>>, vector<16xf32>,
        %parallel_loop3A_179 = arith.constant 3 : i32
        %parallel_loop3A_180 = vector.broadcast %parallel_loop3A_179 : i32 to vector<16xi32>
        %parallel_loop3A_181 = tpu.vector_load_idx %arg7[%parallel_loop3A_180, %parallel_loop3A_157] : memref<8x2048xf32, #tpu.memory_space<vmem>>[vector<16xi32>, vector<16xi32>], vector<16xf32>,
        %parallel_loop3A_182 = arith.constant 3 : i32
        %parallel_loop3A_183 = arith.index_cast %parallel_loop3A_182 : i32 to index
        %parallel_loop3A_184 = arith.index_cast %parallel_loop3A_155 : i32 to index
        %parallel_loop3A_185 = tpu.vector_load %arg10[%parallel_loop3A_183, %parallel_loop3A_184] {strides = array<i32>} : memref<8x2048xf32, #tpu.memory_space<vmem>>, vector<16xf32>,
        tpu.vector_store %arg10[%parallel_loop3A_183, %parallel_loop3A_184], %parallel_loop3A_181 {strides = array<i32>} : memref<8x2048xf32, #tpu.memory_space<vmem>>, vector<16xf32>,
        %parallel_loop3A_186 = arith.constant 4 : i32
        %parallel_loop3A_187 = vector.broadcast %parallel_loop3A_186 : i32 to vector<16xi32>
        %parallel_loop3A_188 = tpu.vector_load_idx %arg7[%parallel_loop3A_187, %parallel_loop3A_157] : memref<8x2048xf32, #tpu.memory_space<vmem>>[vector<16xi32>, vector<16xi32>], vector<16xf32>,
        %parallel_loop3A_189 = arith.constant 4 : i32
        %parallel_loop3A_190 = arith.index_cast %parallel_loop3A_189 : i32 to index
        %parallel_loop3A_191 = arith.index_cast %parallel_loop3A_155 : i32 to index
        %parallel_loop3A_192 = tpu.vector_load %arg10[%parallel_loop3A_190, %parallel_loop3A_191] {strides = array<i32>} : memref<8x2048xf32, #tpu.memory_space<vmem>>, vector<16xf32>,
        tpu.vector_store %arg10[%parallel_loop3A_190, %parallel_loop3A_191], %parallel_loop3A_188 {strides = array<i32>} : memref<8x2048xf32, #tpu.memory_space<vmem>>, vector<16xf32>,
        %parallel_loop3A_193 = arith.constant 5 : i32
        %parallel_loop3A_194 = vector.broadcast %parallel_loop3A_193 : i32 to vector<16xi32>
        %parallel_loop3A_195 = tpu.vector_load_idx %arg7[%parallel_loop3A_194, %parallel_loop3A_157] : memref<8x2048xf32, #tpu.memory_space<vmem>>[vector<16xi32>, vector<16xi32>], vector<16xf32>,
        %parallel_loop3A_196 = arith.constant 5 : i32
        %parallel_loop3A_197 = arith.index_cast %parallel_loop3A_196 : i32 to index
        %parallel_loop3A_198 = arith.index_cast %parallel_loop3A_155 : i32 to index
        %parallel_loop3A_199 = tpu.vector_load %arg10[%parallel_loop3A_197, %parallel_loop3A_198] {strides = array<i32>} : memref<8x2048xf32, #tpu.memory_space<vmem>>, vector<16xf32>,
        tpu.vector_store %arg10[%parallel_loop3A_197, %parallel_loop3A_198], %parallel_loop3A_195 {strides = array<i32>} : memref<8x2048xf32, #tpu.memory_space<vmem>>, vector<16xf32>,
        %parallel_loop3A_200 = arith.constant 6 : i32
        %parallel_loop3A_201 = vector.broadcast %parallel_loop3A_200 : i32 to vector<16xi32>
        %parallel_loop3A_202 = tpu.vector_load_idx %arg7[%parallel_loop3A_201, %parallel_loop3A_157] : memref<8x2048xf32, #tpu.memory_space<vmem>>[vector<16xi32>, vector<16xi32>], vector<16xf32>,
        %parallel_loop3A_203 = arith.constant 6 : i32
        %parallel_loop3A_204 = arith.index_cast %parallel_loop3A_203 : i32 to index
        %parallel_loop3A_205 = arith.index_cast %parallel_loop3A_155 : i32 to index
        %parallel_loop3A_206 = tpu.vector_load %arg10[%parallel_loop3A_204, %parallel_loop3A_205] {strides = array<i32>} : memref<8x2048xf32, #tpu.memory_space<vmem>>, vector<16xf32>,
        tpu.vector_store %arg10[%parallel_loop3A_204, %parallel_loop3A_205], %parallel_loop3A_202 {strides = array<i32>} : memref<8x2048xf32, #tpu.memory_space<vmem>>, vector<16xf32>,
        %parallel_loop3A_207 = arith.constant 7 : i32
        %parallel_loop3A_208 = vector.broadcast %parallel_loop3A_207 : i32 to vector<16xi32>
        %parallel_loop3A_209 = tpu.vector_load_idx %arg7[%parallel_loop3A_208, %parallel_loop3A_157] : memref<8x2048xf32, #tpu.memory_space<vmem>>[vector<16xi32>, vector<16xi32>], vector<16xf32>,
        %parallel_loop3A_210 = arith.constant 7 : i32
        %parallel_loop3A_211 = arith.index_cast %parallel_loop3A_210 : i32 to index
        %parallel_loop3A_212 = arith.index_cast %parallel_loop3A_155 : i32 to index
        %parallel_loop3A_213 = tpu.vector_load %arg10[%parallel_loop3A_211, %parallel_loop3A_212] {strides = array<i32>} : memref<8x2048xf32, #tpu.memory_space<vmem>>, vector<16xf32>,
        tpu.vector_store %arg10[%parallel_loop3A_211, %parallel_loop3A_212], %parallel_loop3A_209 {strides = array<i32>} : memref<8x2048xf32, #tpu.memory_space<vmem>>, vector<16xf32>,
      } {sc.loop_unroll_factor = 8 : i64, sc.parallel_access}
      %mul3A_113 = arith.constant 8 : i32
      %mul3A_114 = arith.muli %add3A_88, %mul3A_113 : i32
      %add3A_115 = arith.addi %mul3A_2, %mul3A_114 : i32
      %dma_start3A_116 = arith.constant 0 : i32
      %dma_start3A_117 = tpu.memref_slice %arg4[%add3A_115, %dma_start3A_116] : memref<16384x2048xf32, #tpu.memory_space<hbm>> -> memref<8x2048xf32, #tpu.memory_space<hbm>>
      %dma_start3A_118 = arith.constant 0 : i32
      %dma_start3A_119 = tpu.memref_slice %arg4[%add3A_115, %dma_start3A_118] : memref<16384x2048xf32, #tpu.memory_space<hbm>> -> memref<8x2048xf32, #tpu.memory_space<hbm>>
      tpu.enqueue_dma source(%arg10 : memref<8x2048xf32, #tpu.memory_space<vmem>>) target(%dma_start3A_119 : memref<8x2048xf32, #tpu.memory_space<hbm>>) target_semaphore(%arg16 : memref<!tpu.dma_semaphore, #tpu.memory_space<semaphore_mem>>)
      %add3A_120 = arith.constant 2 : i32
      %add3A_121 = arith.addi %mul3A_58, %add3A_120 : i32
      %add3A_122 = arith.constant 3 : i32
      %add3A_123 = arith.addi %add3A_121, %add3A_122 : i32
      %sub3A_124 = arith.constant 1 : i32
      %sub3A_125 = arith.subi %add3A_123, %sub3A_124 : i32
      %lt3A_126 = arith.constant 64 : i32
      %lt3A_127 = arith.cmpi slt, %sub3A_125, %lt3A_126 : i32
      %convert_element_type3A_128 = arith.extui %lt3A_127 : i1 to i32
      %cond3A_129 = arith.constant 0 : i32
      %cond3A_130 = arith.cmpi ne, %convert_element_type3A_128, %cond3A_129 : i32
      scf.if %cond3A_130 {
        %add3A_153 = arith.constant 3 : i32
        %add3A_154 = arith.addi %add3A_121, %add3A_153 : i32
        %sub3A_155 = arith.constant 1 : i32
        %sub3A_156 = arith.subi %add3A_154, %sub3A_155 : i32
        %mul3A_157 = arith.constant 8 : i32
        %mul3A_158 = arith.muli %sub3A_156, %mul3A_157 : i32
        %add3A_159 = arith.addi %mul3A_2, %mul3A_158 : i32
        %dma_start3A_160 = arith.constant 0 : i32
        %dma_start3A_161 = tpu.memref_slice %arg2[%add3A_159, %dma_start3A_160] : memref<16384x2048xf32, #tpu.memory_space<hbm>> -> memref<8x2048xf32, #tpu.memory_space<hbm>>
        %dma_start3A_162 = arith.constant 0 : i32
        %dma_start3A_163 = tpu.memref_slice %arg2[%add3A_159, %dma_start3A_162] : memref<16384x2048xf32, #tpu.memory_space<hbm>> -> memref<8x2048xf32, #tpu.memory_space<hbm>>
        tpu.enqueue_dma source(%dma_start3A_163 : memref<8x2048xf32, #tpu.memory_space<hbm>>) target(%arg7 : memref<8x2048xf32, #tpu.memory_space<vmem>>) target_semaphore(%arg13 : memref<!tpu.dma_semaphore, #tpu.memory_space<semaphore_mem>>)
      } else {
      }
      %mul3A_131 = arith.constant 8 : i32
      %mul3A_132 = arith.muli %add3A_121, %mul3A_131 : i32
      %add3A_133 = arith.addi %mul3A_2, %mul3A_132 : i32
      %dma_wait3A_134 = arith.constant 0 : i32
      %dma_wait3A_135 = tpu.memref_slice %arg2[%add3A_133, %dma_wait3A_134] : memref<16384x2048xf32, #tpu.memory_space<hbm>> -> memref<8x2048xf32, #tpu.memory_space<hbm>>
      %dma_wait3A_136 = arith.constant 0 : i32
      %dma_wait3A_137 = tpu.memref_slice %arg2[%add3A_133, %dma_wait3A_136] : memref<16384x2048xf32, #tpu.memory_space<hbm>> -> memref<8x2048xf32, #tpu.memory_space<hbm>>
      tpu.wait_dma2 semaphore(%arg14 : memref<!tpu.dma_semaphore, #tpu.memory_space<semaphore_mem>>) src(%dma_wait3A_137 : memref<8x2048xf32, #tpu.memory_space<hbm>>) dst(%arg8 : memref<8x2048xf32, #tpu.memory_space<vmem>>)
      %ge3A_138 = arith.constant 3 : i32
      %ge3A_139 = arith.cmpi sge, %add3A_121, %ge3A_138 : i32
      %convert_element_type3A_140 = arith.extui %ge3A_139 : i1 to i32
      %cond3A_141 = arith.constant 0 : i32
      %cond3A_142 = arith.cmpi ne, %convert_element_type3A_140, %cond3A_141 : i32
      scf.if %cond3A_142 {
        %sub3A_153 = arith.constant 3 : i32
        %sub3A_154 = arith.subi %add3A_121, %sub3A_153 : i32
        %mul3A_155 = arith.constant 8 : i32
        %mul3A_156 = arith.muli %sub3A_154, %mul3A_155 : i32
        %add3A_157 = arith.addi %mul3A_2, %mul3A_156 : i32
        %dma_wait3A_158 = arith.constant 0 : i32
        %dma_wait3A_159 = tpu.memref_slice %arg4[%add3A_157, %dma_wait3A_158] : memref<16384x2048xf32, #tpu.memory_space<hbm>> -> memref<8x2048xf32, #tpu.memory_space<hbm>>
        %dma_wait3A_160 = arith.constant 0 : i32
        %dma_wait3A_161 = tpu.memref_slice %arg4[%add3A_157, %dma_wait3A_160] : memref<16384x2048xf32, #tpu.memory_space<hbm>> -> memref<8x2048xf32, #tpu.memory_space<hbm>>
        tpu.wait_dma2 semaphore(%arg17 : memref<!tpu.dma_semaphore, #tpu.memory_space<semaphore_mem>>) src(%arg11 : memref<8x2048xf32, #tpu.memory_space<vmem>>) dst(%dma_wait3A_161 : memref<8x2048xf32, #tpu.memory_space<hbm>>)
      } else {
      }
      %parallel_loop3A_143 = arith.constant 0 : i32
      %parallel_loop3A_144 = arith.constant 128 : i32
      %parallel_loop3A_145 = arith.constant 1 : i32
      scf.for %parallel_loop3A_153 = %parallel_loop3A_143 to %parallel_loop3A_144 step %parallel_loop3A_145  : i32 {
        %parallel_loop3A_154 = arith.constant 16 : i32
        %parallel_loop3A_155 = arith.muli %parallel_loop3A_153, %parallel_loop3A_154 : i32
        %parallel_loop3A_156 = arith.index_cast %parallel_loop3A_155 : i32 to index
        %parallel_loop3A_157 = tpu.vector_load %arg5[%parallel_loop3A_156] {strides = array<i32>} : memref<2048xi32, #tpu.memory_space<vmem>>, vector<16xi32>,
        %parallel_loop3A_158 = arith.constant 0 : i32
        %parallel_loop3A_159 = vector.broadcast %parallel_loop3A_158 : i32 to vector<16xi32>
        %parallel_loop3A_160 = tpu.vector_load_idx %arg8[%parallel_loop3A_159, %parallel_loop3A_157] : memref<8x2048xf32, #tpu.memory_space<vmem>>[vector<16xi32>, vector<16xi32>], vector<16xf32>,
        %parallel_loop3A_161 = arith.constant 0 : i32
        %parallel_loop3A_162 = arith.index_cast %parallel_loop3A_161 : i32 to index
        %parallel_loop3A_163 = arith.index_cast %parallel_loop3A_155 : i32 to index
        %parallel_loop3A_164 = tpu.vector_load %arg11[%parallel_loop3A_162, %parallel_loop3A_163] {strides = array<i32>} : memref<8x2048xf32, #tpu.memory_space<vmem>>, vector<16xf32>,
        tpu.vector_store %arg11[%parallel_loop3A_162, %parallel_loop3A_163], %parallel_loop3A_160 {strides = array<i32>} : memref<8x2048xf32, #tpu.memory_space<vmem>>, vector<16xf32>,
        %parallel_loop3A_165 = arith.constant 1 : i32
        %parallel_loop3A_166 = vector.broadcast %parallel_loop3A_165 : i32 to vector<16xi32>
        %parallel_loop3A_167 = tpu.vector_load_idx %arg8[%parallel_loop3A_166, %parallel_loop3A_157] : memref<8x2048xf32, #tpu.memory_space<vmem>>[vector<16xi32>, vector<16xi32>], vector<16xf32>,
        %parallel_loop3A_168 = arith.constant 1 : i32
        %parallel_loop3A_169 = arith.index_cast %parallel_loop3A_168 : i32 to index
        %parallel_loop3A_170 = arith.index_cast %parallel_loop3A_155 : i32 to index
        %parallel_loop3A_171 = tpu.vector_load %arg11[%parallel_loop3A_169, %parallel_loop3A_170] {strides = array<i32>} : memref<8x2048xf32, #tpu.memory_space<vmem>>, vector<16xf32>,
        tpu.vector_store %arg11[%parallel_loop3A_169, %parallel_loop3A_170], %parallel_loop3A_167 {strides = array<i32>} : memref<8x2048xf32, #tpu.memory_space<vmem>>, vector<16xf32>,
        %parallel_loop3A_172 = arith.constant 2 : i32
        %parallel_loop3A_173 = vector.broadcast %parallel_loop3A_172 : i32 to vector<16xi32>
        %parallel_loop3A_174 = tpu.vector_load_idx %arg8[%parallel_loop3A_173, %parallel_loop3A_157] : memref<8x2048xf32, #tpu.memory_space<vmem>>[vector<16xi32>, vector<16xi32>], vector<16xf32>,
        %parallel_loop3A_175 = arith.constant 2 : i32
        %parallel_loop3A_176 = arith.index_cast %parallel_loop3A_175 : i32 to index
        %parallel_loop3A_177 = arith.index_cast %parallel_loop3A_155 : i32 to index
        %parallel_loop3A_178 = tpu.vector_load %arg11[%parallel_loop3A_176, %parallel_loop3A_177] {strides = array<i32>} : memref<8x2048xf32, #tpu.memory_space<vmem>>, vector<16xf32>,
        tpu.vector_store %arg11[%parallel_loop3A_176, %parallel_loop3A_177], %parallel_loop3A_174 {strides = array<i32>} : memref<8x2048xf32, #tpu.memory_space<vmem>>, vector<16xf32>,
        %parallel_loop3A_179 = arith.constant 3 : i32
        %parallel_loop3A_180 = vector.broadcast %parallel_loop3A_179 : i32 to vector<16xi32>
        %parallel_loop3A_181 = tpu.vector_load_idx %arg8[%parallel_loop3A_180, %parallel_loop3A_157] : memref<8x2048xf32, #tpu.memory_space<vmem>>[vector<16xi32>, vector<16xi32>], vector<16xf32>,
        %parallel_loop3A_182 = arith.constant 3 : i32
        %parallel_loop3A_183 = arith.index_cast %parallel_loop3A_182 : i32 to index
        %parallel_loop3A_184 = arith.index_cast %parallel_loop3A_155 : i32 to index
        %parallel_loop3A_185 = tpu.vector_load %arg11[%parallel_loop3A_183, %parallel_loop3A_184] {strides = array<i32>} : memref<8x2048xf32, #tpu.memory_space<vmem>>, vector<16xf32>,
        tpu.vector_store %arg11[%parallel_loop3A_183, %parallel_loop3A_184], %parallel_loop3A_181 {strides = array<i32>} : memref<8x2048xf32, #tpu.memory_space<vmem>>, vector<16xf32>,
        %parallel_loop3A_186 = arith.constant 4 : i32
        %parallel_loop3A_187 = vector.broadcast %parallel_loop3A_186 : i32 to vector<16xi32>
        %parallel_loop3A_188 = tpu.vector_load_idx %arg8[%parallel_loop3A_187, %parallel_loop3A_157] : memref<8x2048xf32, #tpu.memory_space<vmem>>[vector<16xi32>, vector<16xi32>], vector<16xf32>,
        %parallel_loop3A_189 = arith.constant 4 : i32
        %parallel_loop3A_190 = arith.index_cast %parallel_loop3A_189 : i32 to index
        %parallel_loop3A_191 = arith.index_cast %parallel_loop3A_155 : i32 to index
        %parallel_loop3A_192 = tpu.vector_load %arg11[%parallel_loop3A_190, %parallel_loop3A_191] {strides = array<i32>} : memref<8x2048xf32, #tpu.memory_space<vmem>>, vector<16xf32>,
        tpu.vector_store %arg11[%parallel_loop3A_190, %parallel_loop3A_191], %parallel_loop3A_188 {strides = array<i32>} : memref<8x2048xf32, #tpu.memory_space<vmem>>, vector<16xf32>,
        %parallel_loop3A_193 = arith.constant 5 : i32
        %parallel_loop3A_194 = vector.broadcast %parallel_loop3A_193 : i32 to vector<16xi32>
        %parallel_loop3A_195 = tpu.vector_load_idx %arg8[%parallel_loop3A_194, %parallel_loop3A_157] : memref<8x2048xf32, #tpu.memory_space<vmem>>[vector<16xi32>, vector<16xi32>], vector<16xf32>,
        %parallel_loop3A_196 = arith.constant 5 : i32
        %parallel_loop3A_197 = arith.index_cast %parallel_loop3A_196 : i32 to index
        %parallel_loop3A_198 = arith.index_cast %parallel_loop3A_155 : i32 to index
        %parallel_loop3A_199 = tpu.vector_load %arg11[%parallel_loop3A_197, %parallel_loop3A_198] {strides = array<i32>} : memref<8x2048xf32, #tpu.memory_space<vmem>>, vector<16xf32>,
        tpu.vector_store %arg11[%parallel_loop3A_197, %parallel_loop3A_198], %parallel_loop3A_195 {strides = array<i32>} : memref<8x2048xf32, #tpu.memory_space<vmem>>, vector<16xf32>,
        %parallel_loop3A_200 = arith.constant 6 : i32
        %parallel_loop3A_201 = vector.broadcast %parallel_loop3A_200 : i32 to vector<16xi32>
        %parallel_loop3A_202 = tpu.vector_load_idx %arg8[%parallel_loop3A_201, %parallel_loop3A_157] : memref<8x2048xf32, #tpu.memory_space<vmem>>[vector<16xi32>, vector<16xi32>], vector<16xf32>,
        %parallel_loop3A_203 = arith.constant 6 : i32
        %parallel_loop3A_204 = arith.index_cast %parallel_loop3A_203 : i32 to index
        %parallel_loop3A_205 = arith.index_cast %parallel_loop3A_155 : i32 to index
        %parallel_loop3A_206 = tpu.vector_load %arg11[%parallel_loop3A_204, %parallel_loop3A_205] {strides = array<i32>} : memref<8x2048xf32, #tpu.memory_space<vmem>>, vector<16xf32>,
        tpu.vector_store %arg11[%parallel_loop3A_204, %parallel_loop3A_205], %parallel_loop3A_202 {strides = array<i32>} : memref<8x2048xf32, #tpu.memory_space<vmem>>, vector<16xf32>,
        %parallel_loop3A_207 = arith.constant 7 : i32
        %parallel_loop3A_208 = vector.broadcast %parallel_loop3A_207 : i32 to vector<16xi32>
        %parallel_loop3A_209 = tpu.vector_load_idx %arg8[%parallel_loop3A_208, %parallel_loop3A_157] : memref<8x2048xf32, #tpu.memory_space<vmem>>[vector<16xi32>, vector<16xi32>], vector<16xf32>,
        %parallel_loop3A_210 = arith.constant 7 : i32
        %parallel_loop3A_211 = arith.index_cast %parallel_loop3A_210 : i32 to index
        %parallel_loop3A_212 = arith.index_cast %parallel_loop3A_155 : i32 to index
        %parallel_loop3A_213 = tpu.vector_load %arg11[%parallel_loop3A_211, %parallel_loop3A_212] {strides = array<i32>} : memref<8x2048xf32, #tpu.memory_space<vmem>>, vector<16xf32>,
        tpu.vector_store %arg11[%parallel_loop3A_211, %parallel_loop3A_212], %parallel_loop3A_209 {strides = array<i32>} : memref<8x2048xf32, #tpu.memory_space<vmem>>, vector<16xf32>,
      } {sc.loop_unroll_factor = 8 : i64, sc.parallel_access}
      %mul3A_146 = arith.constant 8 : i32
      %mul3A_147 = arith.muli %add3A_121, %mul3A_146 : i32
      %add3A_148 = arith.addi %mul3A_2, %mul3A_147 : i32
      %dma_start3A_149 = arith.constant 0 : i32
      %dma_start3A_150 = tpu.memref_slice %arg4[%add3A_148, %dma_start3A_149] : memref<16384x2048xf32, #tpu.memory_space<hbm>> -> memref<8x2048xf32, #tpu.memory_space<hbm>>
      %dma_start3A_151 = arith.constant 0 : i32
      %dma_start3A_152 = tpu.memref_slice %arg4[%add3A_148, %dma_start3A_151] : memref<16384x2048xf32, #tpu.memory_space<hbm>> -> memref<8x2048xf32, #tpu.memory_space<hbm>>
      tpu.enqueue_dma source(%arg11 : memref<8x2048xf32, #tpu.memory_space<vmem>>) target(%dma_start3A_152 : memref<8x2048xf32, #tpu.memory_space<hbm>>) target_semaphore(%arg17 : memref<!tpu.dma_semaphore, #tpu.memory_space<semaphore_mem>>)
    }
    %scan3A_18 = arith.constant 21 : i32
    %add3A_19 = arith.constant 504 : i32
    %add3A_20 = arith.addi %mul3A_2, %add3A_19 : i32
    %dma_wait3A = arith.constant 0 : i32
    %dma_wait3A_21 = tpu.memref_slice %arg2[%add3A_20, %dma_wait3A] : memref<16384x2048xf32, #tpu.memory_space<hbm>> -> memref<8x2048xf32, #tpu.memory_space<hbm>>
    %dma_wait3A_22 = arith.constant 0 : i32
    %dma_wait3A_23 = tpu.memref_slice %arg2[%add3A_20, %dma_wait3A_22] : memref<16384x2048xf32, #tpu.memory_space<hbm>> -> memref<8x2048xf32, #tpu.memory_space<hbm>>
    tpu.wait_dma2 semaphore(%arg12 : memref<!tpu.dma_semaphore, #tpu.memory_space<semaphore_mem>>) src(%dma_wait3A_23 : memref<8x2048xf32, #tpu.memory_space<hbm>>) dst(%arg6 : memref<8x2048xf32, #tpu.memory_space<vmem>>)
    %add3A_24 = arith.constant 480 : i32
    %add3A_25 = arith.addi %mul3A_2, %add3A_24 : i32
    %dma_wait3A_26 = arith.constant 0 : i32
    %dma_wait3A_27 = tpu.memref_slice %arg4[%add3A_25, %dma_wait3A_26] : memref<16384x2048xf32, #tpu.memory_space<hbm>> -> memref<8x2048xf32, #tpu.memory_space<hbm>>
    %dma_wait3A_28 = arith.constant 0 : i32
    %dma_wait3A_29 = tpu.memref_slice %arg4[%add3A_25, %dma_wait3A_28] : memref<16384x2048xf32, #tpu.memory_space<hbm>> -> memref<8x2048xf32, #tpu.memory_space<hbm>>
    tpu.wait_dma2 semaphore(%arg15 : memref<!tpu.dma_semaphore, #tpu.memory_space<semaphore_mem>>) src(%arg9 : memref<8x2048xf32, #tpu.memory_space<vmem>>) dst(%dma_wait3A_29 : memref<8x2048xf32, #tpu.memory_space<hbm>>)
    %parallel_loop3A = arith.constant 0 : i32
    %parallel_loop3A_30 = arith.constant 128 : i32
    %parallel_loop3A_31 = arith.constant 1 : i32
    scf.for %parallel_loop3A_56 = %parallel_loop3A to %parallel_loop3A_30 step %parallel_loop3A_31  : i32 {
      %parallel_loop3A_57 = arith.constant 16 : i32
      %parallel_loop3A_58 = arith.muli %parallel_loop3A_56, %parallel_loop3A_57 : i32
      %parallel_loop3A_59 = arith.index_cast %parallel_loop3A_58 : i32 to index
      %parallel_loop3A_60 = tpu.vector_load %arg5[%parallel_loop3A_59] {strides = array<i32>} : memref<2048xi32, #tpu.memory_space<vmem>>, vector<16xi32>,
      %parallel_loop3A_61 = arith.constant 0 : i32
      %parallel_loop3A_62 = vector.broadcast %parallel_loop3A_61 : i32 to vector<16xi32>
      %parallel_loop3A_63 = tpu.vector_load_idx %arg6[%parallel_loop3A_62, %parallel_loop3A_60] : memref<8x2048xf32, #tpu.memory_space<vmem>>[vector<16xi32>, vector<16xi32>], vector<16xf32>,
      %parallel_loop3A_64 = arith.constant 0 : i32
      %parallel_loop3A_65 = arith.index_cast %parallel_loop3A_64 : i32 to index
      %parallel_loop3A_66 = arith.index_cast %parallel_loop3A_58 : i32 to index
      %parallel_loop3A_67 = tpu.vector_load %arg9[%parallel_loop3A_65, %parallel_loop3A_66] {strides = array<i32>} : memref<8x2048xf32, #tpu.memory_space<vmem>>, vector<16xf32>,
      tpu.vector_store %arg9[%parallel_loop3A_65, %parallel_loop3A_66], %parallel_loop3A_63 {strides = array<i32>} : memref<8x2048xf32, #tpu.memory_space<vmem>>, vector<16xf32>,
      %parallel_loop3A_68 = arith.constant 1 : i32
      %parallel_loop3A_69 = vector.broadcast %parallel_loop3A_68 : i32 to vector<16xi32>
      %parallel_loop3A_70 = tpu.vector_load_idx %arg6[%parallel_loop3A_69, %parallel_loop3A_60] : memref<8x2048xf32, #tpu.memory_space<vmem>>[vector<16xi32>, vector<16xi32>], vector<16xf32>,
      %parallel_loop3A_71 = arith.constant 1 : i32
      %parallel_loop3A_72 = arith.index_cast %parallel_loop3A_71 : i32 to index
      %parallel_loop3A_73 = arith.index_cast %parallel_loop3A_58 : i32 to index
      %parallel_loop3A_74 = tpu.vector_load %arg9[%parallel_loop3A_72, %parallel_loop3A_73] {strides = array<i32>} : memref<8x2048xf32, #tpu.memory_space<vmem>>, vector<16xf32>,
      tpu.vector_store %arg9[%parallel_loop3A_72, %parallel_loop3A_73], %parallel_loop3A_70 {strides = array<i32>} : memref<8x2048xf32, #tpu.memory_space<vmem>>, vector<16xf32>,
      %parallel_loop3A_75 = arith.constant 2 : i32
      %parallel_loop3A_76 = vector.broadcast %parallel_loop3A_75 : i32 to vector<16xi32>
      %parallel_loop3A_77 = tpu.vector_load_idx %arg6[%parallel_loop3A_76, %parallel_loop3A_60] : memref<8x2048xf32, #tpu.memory_space<vmem>>[vector<16xi32>, vector<16xi32>], vector<16xf32>,
      %parallel_loop3A_78 = arith.constant 2 : i32
      %parallel_loop3A_79 = arith.index_cast %parallel_loop3A_78 : i32 to index
      %parallel_loop3A_80 = arith.index_cast %parallel_loop3A_58 : i32 to index
      %parallel_loop3A_81 = tpu.vector_load %arg9[%parallel_loop3A_79, %parallel_loop3A_80] {strides = array<i32>} : memref<8x2048xf32, #tpu.memory_space<vmem>>, vector<16xf32>,
      tpu.vector_store %arg9[%parallel_loop3A_79, %parallel_loop3A_80], %parallel_loop3A_77 {strides = array<i32>} : memref<8x2048xf32, #tpu.memory_space<vmem>>, vector<16xf32>,
      %parallel_loop3A_82 = arith.constant 3 : i32
      %parallel_loop3A_83 = vector.broadcast %parallel_loop3A_82 : i32 to vector<16xi32>
      %parallel_loop3A_84 = tpu.vector_load_idx %arg6[%parallel_loop3A_83, %parallel_loop3A_60] : memref<8x2048xf32, #tpu.memory_space<vmem>>[vector<16xi32>, vector<16xi32>], vector<16xf32>,
      %parallel_loop3A_85 = arith.constant 3 : i32
      %parallel_loop3A_86 = arith.index_cast %parallel_loop3A_85 : i32 to index
      %parallel_loop3A_87 = arith.index_cast %parallel_loop3A_58 : i32 to index
      %parallel_loop3A_88 = tpu.vector_load %arg9[%parallel_loop3A_86, %parallel_loop3A_87] {strides = array<i32>} : memref<8x2048xf32, #tpu.memory_space<vmem>>, vector<16xf32>,
      tpu.vector_store %arg9[%parallel_loop3A_86, %parallel_loop3A_87], %parallel_loop3A_84 {strides = array<i32>} : memref<8x2048xf32, #tpu.memory_space<vmem>>, vector<16xf32>,
      %parallel_loop3A_89 = arith.constant 4 : i32
      %parallel_loop3A_90 = vector.broadcast %parallel_loop3A_89 : i32 to vector<16xi32>
      %parallel_loop3A_91 = tpu.vector_load_idx %arg6[%parallel_loop3A_90, %parallel_loop3A_60] : memref<8x2048xf32, #tpu.memory_space<vmem>>[vector<16xi32>, vector<16xi32>], vector<16xf32>,
      %parallel_loop3A_92 = arith.constant 4 : i32
      %parallel_loop3A_93 = arith.index_cast %parallel_loop3A_92 : i32 to index
      %parallel_loop3A_94 = arith.index_cast %parallel_loop3A_58 : i32 to index
      %parallel_loop3A_95 = tpu.vector_load %arg9[%parallel_loop3A_93, %parallel_loop3A_94] {strides = array<i32>} : memref<8x2048xf32, #tpu.memory_space<vmem>>, vector<16xf32>,
      tpu.vector_store %arg9[%parallel_loop3A_93, %parallel_loop3A_94], %parallel_loop3A_91 {strides = array<i32>} : memref<8x2048xf32, #tpu.memory_space<vmem>>, vector<16xf32>,
      %parallel_loop3A_96 = arith.constant 5 : i32
      %parallel_loop3A_97 = vector.broadcast %parallel_loop3A_96 : i32 to vector<16xi32>
      %parallel_loop3A_98 = tpu.vector_load_idx %arg6[%parallel_loop3A_97, %parallel_loop3A_60] : memref<8x2048xf32, #tpu.memory_space<vmem>>[vector<16xi32>, vector<16xi32>], vector<16xf32>,
      %parallel_loop3A_99 = arith.constant 5 : i32
      %parallel_loop3A_100 = arith.index_cast %parallel_loop3A_99 : i32 to index
      %parallel_loop3A_101 = arith.index_cast %parallel_loop3A_58 : i32 to index
      %parallel_loop3A_102 = tpu.vector_load %arg9[%parallel_loop3A_100, %parallel_loop3A_101] {strides = array<i32>} : memref<8x2048xf32, #tpu.memory_space<vmem>>, vector<16xf32>,
      tpu.vector_store %arg9[%parallel_loop3A_100, %parallel_loop3A_101], %parallel_loop3A_98 {strides = array<i32>} : memref<8x2048xf32, #tpu.memory_space<vmem>>, vector<16xf32>,
      %parallel_loop3A_103 = arith.constant 6 : i32
      %parallel_loop3A_104 = vector.broadcast %parallel_loop3A_103 : i32 to vector<16xi32>
      %parallel_loop3A_105 = tpu.vector_load_idx %arg6[%parallel_loop3A_104, %parallel_loop3A_60] : memref<8x2048xf32, #tpu.memory_space<vmem>>[vector<16xi32>, vector<16xi32>], vector<16xf32>,
      %parallel_loop3A_106 = arith.constant 6 : i32
      %parallel_loop3A_107 = arith.index_cast %parallel_loop3A_106 : i32 to index
      %parallel_loop3A_108 = arith.index_cast %parallel_loop3A_58 : i32 to index
      %parallel_loop3A_109 = tpu.vector_load %arg9[%parallel_loop3A_107, %parallel_loop3A_108] {strides = array<i32>} : memref<8x2048xf32, #tpu.memory_space<vmem>>, vector<16xf32>,
      tpu.vector_store %arg9[%parallel_loop3A_107, %parallel_loop3A_108], %parallel_loop3A_105 {strides = array<i32>} : memref<8x2048xf32, #tpu.memory_space<vmem>>, vector<16xf32>,
      %parallel_loop3A_110 = arith.constant 7 : i32
      %parallel_loop3A_111 = vector.broadcast %parallel_loop3A_110 : i32 to vector<16xi32>
      %parallel_loop3A_112 = tpu.vector_load_idx %arg6[%parallel_loop3A_111, %parallel_loop3A_60] : memref<8x2048xf32, #tpu.memory_space<vmem>>[vector<16xi32>, vector<16xi32>], vector<16xf32>,
      %parallel_loop3A_113 = arith.constant 7 : i32
      %parallel_loop3A_114 = arith.index_cast %parallel_loop3A_113 : i32 to index
      %parallel_loop3A_115 = arith.index_cast %parallel_loop3A_58 : i32 to index
      %parallel_loop3A_116 = tpu.vector_load %arg9[%parallel_loop3A_114, %parallel_loop3A_115] {strides = array<i32>} : memref<8x2048xf32, #tpu.memory_space<vmem>>, vector<16xf32>,
      tpu.vector_store %arg9[%parallel_loop3A_114, %parallel_loop3A_115], %parallel_loop3A_112 {strides = array<i32>} : memref<8x2048xf32, #tpu.memory_space<vmem>>, vector<16xf32>,
    } {sc.loop_unroll_factor = 8 : i64, sc.parallel_access}
    %add3A_32 = arith.constant 504 : i32
    %add3A_33 = arith.addi %mul3A_2, %add3A_32 : i32
    %dma_start3A_34 = arith.constant 0 : i32
    %dma_start3A_35 = tpu.memref_slice %arg4[%add3A_33, %dma_start3A_34] : memref<16384x2048xf32, #tpu.memory_space<hbm>> -> memref<8x2048xf32, #tpu.memory_space<hbm>>
    %dma_start3A_36 = arith.constant 0 : i32
    %dma_start3A_37 = tpu.memref_slice %arg4[%add3A_33, %dma_start3A_36] : memref<16384x2048xf32, #tpu.memory_space<hbm>> -> memref<8x2048xf32, #tpu.memory_space<hbm>>
    tpu.enqueue_dma source(%arg9 : memref<8x2048xf32, #tpu.memory_space<vmem>>) target(%dma_start3A_37 : memref<8x2048xf32, #tpu.memory_space<hbm>>) target_semaphore(%arg15 : memref<!tpu.dma_semaphore, #tpu.memory_space<semaphore_mem>>)
    %add3A_38 = arith.constant 488 : i32
    %add3A_39 = arith.addi %mul3A_2, %add3A_38 : i32
    %dma_wait3A_40 = arith.constant 0 : i32
    %dma_wait3A_41 = tpu.memref_slice %arg4[%add3A_39, %dma_wait3A_40] : memref<16384x2048xf32, #tpu.memory_space<hbm>> -> memref<8x2048xf32, #tpu.memory_space<hbm>>
    %dma_wait3A_42 = arith.constant 0 : i32
    %dma_wait3A_43 = tpu.memref_slice %arg4[%add3A_39, %dma_wait3A_42] : memref<16384x2048xf32, #tpu.memory_space<hbm>> -> memref<8x2048xf32, #tpu.memory_space<hbm>>
    tpu.wait_dma2 semaphore(%arg16 : memref<!tpu.dma_semaphore, #tpu.memory_space<semaphore_mem>>) src(%arg10 : memref<8x2048xf32, #tpu.memory_space<vmem>>) dst(%dma_wait3A_43 : memref<8x2048xf32, #tpu.memory_space<hbm>>)
    %add3A_44 = arith.constant 496 : i32
    %add3A_45 = arith.addi %mul3A_2, %add3A_44 : i32
    %dma_wait3A_46 = arith.constant 0 : i32
    %dma_wait3A_47 = tpu.memref_slice %arg4[%add3A_45, %dma_wait3A_46] : memref<16384x2048xf32, #tpu.memory_space<hbm>> -> memref<8x2048xf32, #tpu.memory_space<hbm>>
    %dma_wait3A_48 = arith.constant 0 : i32
    %dma_wait3A_49 = tpu.memref_slice %arg4[%add3A_45, %dma_wait3A_48] : memref<16384x2048xf32, #tpu.memory_space<hbm>> -> memref<8x2048xf32, #tpu.memory_space<hbm>>
    tpu.wait_dma2 semaphore(%arg17 : memref<!tpu.dma_semaphore, #tpu.memory_space<semaphore_mem>>) src(%arg11 : memref<8x2048xf32, #tpu.memory_space<vmem>>) dst(%dma_wait3A_49 : memref<8x2048xf32, #tpu.memory_space<hbm>>)
    %add3A_50 = arith.constant 504 : i32
    %add3A_51 = arith.addi %mul3A_2, %add3A_50 : i32
    %dma_wait3A_52 = arith.constant 0 : i32
    %dma_wait3A_53 = tpu.memref_slice %arg4[%add3A_51, %dma_wait3A_52] : memref<16384x2048xf32, #tpu.memory_space<hbm>> -> memref<8x2048xf32, #tpu.memory_space<hbm>>
    %dma_wait3A_54 = arith.constant 0 : i32
    %dma_wait3A_55 = tpu.memref_slice %arg4[%add3A_51, %dma_wait3A_54] : memref<16384x2048xf32, #tpu.memory_space<hbm>> -> memref<8x2048xf32, #tpu.memory_space<hbm>>
    tpu.wait_dma2 semaphore(%arg15 : memref<!tpu.dma_semaphore, #tpu.memory_space<semaphore_mem>>) src(%arg9 : memref<8x2048xf32, #tpu.memory_space<vmem>>) dst(%dma_wait3A_55 : memref<8x2048xf32, #tpu.memory_space<hbm>>)
    return
  }
}

</mosaic_0001>

<sc_bundles>
// kernel: _shuffle.3.cloned.1.call-start
scs
__scs_entry_jumppad:
0x0: {  	(pc) =	sbr.rel $0x88, $3  }
0x1: {  	(tag) =	ssettag $0x0;
	lr =	simm.s32 $0x1  }
0x2: {  	[smem:$0x3F9F] =	sst lr;
	_ =	strace $0xD0000000  }
0x3: {  	_ = 	snop  }
0x4: {  	_ = 	snop  }
0x5: {  	_ = 	snop  }
0x6: {  	_ = 	snop  }
0x7: {  	_ = 	snop  }
__scs_overlays_trampoline_lowered:
0x8: {  	[smem:$0x3FAE] =	sst s0  }
0x9: {  	[smem:$0x3FAF] =	sst s1  }
0xa: {  	[smem:$0x3FB0] =	sst s2  }
0xb: {  	[smem:$0x3FB1] =	sst s3  }
0xc: {  	[smem:$0x3FB2] =	sst s4  }
0xd: {  	[smem:$0x3FB3] =	sst s5  }
0xe: {  	[smem:$0x3FB4] =	sst s6  }
0xf: {  	[smem:$0x3FB5] =	sst s7  }
0x10: {  	[smem:$0x3FB6] =	sst s8  }
0x11: {  	[smem:$0x3FB7] =	sst s9;
	s0 =	simm.s32 @!p0 $0x0  }
0x12: {  	s1 =	sld [smem:$0x3F9D];
	s0 =	simm.s32 @p0 $0x1  }
0x13: {  	[smem:$0x3FB8] =	sst s0;
	s0 =	simm.s32 @!p1 $0x0  }
0x14: {  	s2 =	sld [smem:$0x3F9C];
	s0 =	simm.s32 @p1 $0x1  }
0x15: {  	[smem:$0x3FB9] =	sst s0;
	s0 =	simm.s32 @!p2 $0x0  }
0x16: {  	s3 =	sld [smem:$0x3FDB];
	s0 =	simm.s32 @p2 $0x1  }
0x17: {  	s4 =	simm.s32 $0x1BF5;
	[smem:$0x3FBB] =	sst s0  }
0x18: {  	s0 =	sld [smem:$0x3F9E];
	_ =	swait.ge [sflag:s4], $0x0  }
0x19: {  	s7 =	sld [smem:$0x3F9F]  }
0x1a: {  	s8 =	sadd.s32 $0xFFFFE003, lr  }
0x1b: {  	s9 =	sadd.s32 $0xFFFFFEF7, lr;
	s5 =	simm.s32 $0xFFFFFFFF;
	p2 =	slt.u32 s8, $0xFFFFF086  }
0x1c: {  	p1 =	slt.u32 s9, $0xF7A;
	s5 =	simm.s32 @!p2 $0x0  }
0x1d: {  	s5 =	simm.s32 @p1 $0x1;
	p0 =	seq.s32 s7, s2  }
0x1e: {  	s7 =	smul.u32 @!p0 $0xF7A, s2;
	p2 =	seq.s32 @!p0 s5, $0x0  }
0x1f: {  	s9 =	smul.u32 $0xF7A, s1;
	s8 =	simm.s32 @!p0 $0x1BF5;
	p2 =	por !p2, p0  }
0x20: {  	[sflag:s8] =	ssyncset.s32 @!p0 $0xFFFFF086;
	s6 =	sadd.s32 @!p0 s3, s7;
	s7 =	simm.s32 @!p0 $0x108  }
0x21: {  	s3 =	sadd.s32 s3, s9;
	s6 =	sadd.s32 @!p0 $0x88, s6;
	s7 =	simm.s32 @p2 $0x1082  }
0x22: {  	[simem:s7], [sflag:s8] =	dma.local @!p0 [hbm:s6], $0xF7A  }
0x23: {  	s9 =	sor.u32 $0xD0000000, s2;
	s6 =	simm.s32 $0x108;
	_ =	swait.ge @!p0 [sflag:s8], $0x0  }
0x24: {  	s3 =	sadd.s32 $0x88, s3;
	s6 =	simm.s32 @!p1 $0x1082;
	[sflag:s4] =	ssyncset.s32 $0xFFFFF086  }
0x25: {  	[simem:s6], [sflag:s4] =	dma.local [hbm:s3], $0xF7A  }
0x26: {  	[smem:$0x3F9F] =	sst s1;
	(tag) =	ssettag s2;
	_ =	strace s9  }
0x27: {  	s1 =	sld [smem:$0x3FAF]  }
0x28: {  	s2 =	sld [smem:$0x3FB0]  }
0x29: {  	s4 =	sld [smem:$0x3FB2]  }
0x2a: {  	p0 =	seq.s32 s5, $0x0;
	s5 =	sld [smem:$0x3FB3]  }
0x2b: {  	s6 =	sld [smem:$0x3FB4]  }
0x2c: {  	s7 =	sld [smem:$0x3FB5]  }
0x2d: {  	s3 =	simm.s32 $0x108;
	s8 =	sld [smem:$0x3FB6]  }
0x2e: {  	s3 =	simm.s32 @!p0 $0x1082;
	s9 =	sld [smem:$0x3FB7]  }
0x2f: {  	lr =	sadd.s32 s0, s3;
	s0 =	sld [smem:$0x3FAE]  }
0x30: {  	s3 =	sld [smem:$0x3FB1]  }
0x31: {  	[smem:$0x3FBA] =	sst s10  }
0x32: {  	s10 =	sld [smem:$0x3FB8];
	_ =	sdelay $0x3  }
0x33: {  	p0 =	seq.s32 s10, $0x1;
	s10 =	sld [smem:$0x3FBA];
	_ =	sdelay $0x3  }
0x34: {  	[smem:$0x3FBA] =	sst s10  }
0x35: {  	s10 =	sld [smem:$0x3FB9];
	_ =	sdelay $0x3  }
0x36: {  	p1 =	seq.s32 s10, $0x1;
	s10 =	sld [smem:$0x3FBA];
	_ =	sdelay $0x3  }
0x37: {  	[smem:$0x3FBA] =	sst s10  }
0x38: {  	s10 =	sld [smem:$0x3FBB]  }
0x39: {  	_ = 	snop;
	(pc) =	sbr.ind lr, $3  }
0x3a: {  	_ = 	snop  }
0x3b: {  	_ = 	snop  }
0x3c: {  	p2 =	seq.s32 s10, $0x1;
	s10 =	sld [smem:$0x3FBA]  }
0x3d: {  	_ =	shalt  }
0x3e: {  	_ =	shalt  }
0x3f: {  	_ =	shalt  }
0x40: {  	_ =	shalt  }
0x41: {  	_ =	shalt  }
0x42: {  	_ =	shalt  }
0x43: {  	_ =	shalt  }
0x44: {  	_ =	shalt  }
0x45: {  	_ =	shalt  }
0x46: {  	_ =	shalt  }
0x47: {  	_ =	shalt  }
0x48: {  	_ =	shalt  }
0x49: {  	_ =	shalt  }
0x4a: {  	_ =	shalt  }
0x4b: {  	_ =	shalt  }
0x4c: {  	_ =	shalt  }
0x4d: {  	_ =	shalt  }
0x4e: {  	_ =	shalt  }
0x4f: {  	_ =	shalt  }
0x50: {  	_ =	shalt  }
0x51: {  	_ =	shalt  }
0x52: {  	_ =	shalt  }
0x53: {  	_ =	shalt  }
0x54: {  	_ =	shalt  }
0x55: {  	_ =	shalt  }
0x56: {  	_ =	shalt  }
0x57: {  	_ =	shalt  }
0x58: {  	_ =	shalt  }
0x59: {  	_ =	shalt  }
0x5a: {  	_ =	shalt  }
0x5b: {  	_ =	shalt  }
0x5c: {  	_ =	shalt  }
0x5d: {  	_ =	shalt  }
0x5e: {  	_ =	shalt  }
0x5f: {  	_ =	shalt  }
0x60: {  	_ =	shalt  }
0x61: {  	_ =	shalt  }
0x62: {  	_ =	shalt  }
0x63: {  	_ =	shalt  }
0x64: {  	_ =	shalt  }
0x65: {  	_ =	shalt  }
0x66: {  	_ =	shalt  }
0x67: {  	_ =	shalt  }
0x68: {  	_ =	shalt  }
0x69: {  	_ =	shalt  }
0x6a: {  	_ =	shalt  }
0x6b: {  	_ =	shalt  }
0x6c: {  	_ =	shalt  }
0x6d: {  	_ =	shalt  }
0x6e: {  	_ =	shalt  }
0x6f: {  	_ =	shalt  }
0x70: {  	_ =	shalt  }
0x71: {  	_ =	shalt  }
0x72: {  	_ =	shalt  }
0x73: {  	_ =	shalt  }
0x74: {  	_ =	shalt  }
0x75: {  	_ =	shalt  }
0x76: {  	_ =	shalt  }
0x77: {  	_ =	shalt  }
0x78: {  	_ =	shalt  }
0x79: {  	_ =	shalt  }
0x7a: {  	_ =	shalt  }
0x7b: {  	_ =	shalt  }
0x7c: {  	_ =	shalt  }
0x7d: {  	_ =	shalt  }
0x7e: {  	_ =	shalt  }
0x7f: {  	_ =	shalt  }
0x80: {  	_ =	shalt  }
0x81: {  	_ =	shalt  }
0x82: {  	_ =	shalt  }
0x83: {  	_ =	shalt  }
0x84: {  	_ =	shalt  }
0x85: {  	_ =	shalt  }
0x86: {  	_ =	shalt  }
0x87: {  	_ =	shalt  }
.Lfunc_end0:
.L_simem_size_0:
called_computation_lowered:
.L_overlay_start_0:
0x88: {  	s2 =	sld [smem:$0x3FD9]  }
0x89: {  	s3 =	sld [smem:$0x3FFE];
	_ =	sdelay $0x1  }
0x8a: {  	s1 =	srdreg.scid  }
0x8b: {  	s0 =	sand.u32 $0x1, s1  }
0x8c: {  	s18 =	sshll.u32 s0, $0xA;
	s2 =	sadd.s32 s3, s2  }
0x8d: {  	s2 =	sadd.s32 s2, s18  }
0x8e: {  	[smem:$0x3FC6] =	sst s2  }
0x8f: {  	_ = 	snop  }
0x90: {  	s2 =	sld [smem:$0x3FC9]  }
0x91: {  	s19 =	sld [smem:$0x3FC8]  }
0x92: {  	s4 =	sld [smem:$0x3FD0];
	(tm) =	ssettm $0x1  }
0x93: {  	s5 =	sld [smem:$0x3FFB];
	_ =	sdelay $0x3  }
0x94: {  	_ =	strace s5  }
0x95: {  	s5 =	sld [smem:$0x3FFC];
	_ =	sdelay $0x3  }
0x96: {  	_ =	strace s5  }
0x97: {  	s5 =	sld [smem:$0x3FFD];
	_ =	sdelay $0x3  }
0x98: {  	_ =	strace s5  }
0x99: {  	_ =	strace $0x8FFFFFFF  }
0x9a: {  	s20 =	sld [smem:$0x3FDB];
	_ =	sdelay $0x1  }
0x9b: {  	s6 =	simm.s32 $_scs_section_size  }
0x9c: {  	s7 =	simm.s32 $_size__tile_overlayer_lowered;
	s8 =	simm.s32 $_tile_overlayer_lowered  }
0x9d: {  	s23 =	simm.s32 $0x1BFF;
	s22 =	sshll.u32 s8, $0x1;
	s5 =	sadd.s32 s6, s20  }
0x9e: {  	s9 =	simm.s32 $0x0;
	s21 =	sshll.u32 s7, $0x1;
	s7 =	sadd.s32 s22, s5  }
0x9f: {  	[timem:s9], [sflag:s23] =	dma.local [hbm:s7], s21  }
0xa0: {  	_ =	swait.ge [sflag:s23], s21  }
0xa1: {  	s6 =	ssub.s32 $0x0, s21;
	[sflag:s23] =	ssyncset.done $0x0  }
0xa2: {  	[sflag:s23] =	ssyncadd.s32 s6;
	_ =	sdelay $0x1  }
0xa3: {  	s24 =	simm.s32 $0x1B8B  }
0xa4: {  	_ =	swait.ge [sflag:s24], $0x1  }
0xa5: {  	[sflag:s24] =	ssyncset.done $0x0  }
0xa6: {  	s25 =	simm.s32 $0x1B8E;
	[sflag:s24] =	ssyncadd.s32 $0xFFFFFFFF  }
0xa7: {  	s26 =	simm.s32 $execute0_lowered;
	[smem:$0x3FD2] =	sst s25  }
0xa8: {  	s6 =	sshll.u32 s26, $0x1;
	_ =	strace $0x80000046;
	[dreg:$0x1] =	wrdreg $0xFFFFFFFF  }
0xa9: {  	s28 =	simm.s32 $_size_execute0_lowered;
	s5 =	sadd.s32 s5, s6;
	[dreg:$0x0] =	wrdreg $0x0  }
0xaa: {  	s6 =	sshll.u32 s28, $0x1;
	[dreg:$0x2] =	wrdreg s5  }
0xab: {  	[dreg:$0x3] =	wrdreg s6  }
0xac: {  	[dreg:$0x4] =	wrdreg $0xC0  }
0xad: {  	_ =	task [dreg:s9], $0x5FFFF  }
0xae: {  	[dreg:$0x1] =	wrdreg $0xFFFFFFFF  }
0xaf: {  	[dreg:$0x0] =	wrdreg $0x60  }
0xb0: {  	[dreg:$0x2] =	wrdreg s2  }
0xb1: {  	[dreg:$0x3] =	wrdreg s19  }
0xb2: {  	[dreg:$0x4] =	wrdreg s4  }
0xb3: {  	[dreg:$0x5] =	wrdreg $0x9  }
0xb4: {  	_ =	task.clear_ibuf [dreg:s9], $0x6FFFF;
	_ =	strace $0x90000046  }
0xb5: {  	s29 =	simm.s32 $0x9;
	_ =	strace $0x80000048  }
0xb6: {  	_ =	swait.ge [sflag:s29], $0x1  }
0xb7: {  	[sflag:s29] =	ssyncadd.s32 $0xFFFFFFFF  }
0xb8: {  	_ =	strace $0x90000048  }
0xb9: {  	_ =	sfence  }
0xba: {  	s30 =	sld [smem:$0x0];
	_ =	sdelay $0x2  }
0xbb: {  	s31 =	sshll.u32 s1, $0xD;
	s1 =	sshrl.u32 s1, $0x2  }
0xbc: {  	s3 =	sand.u32 $0x4000, s31;
	s1 =	sadd.s32 s1, s30  }
0xbd: {  	s0 =	sor.u32 s3, s0;
	s1 =	sshll.u32 s1, $0x11  }
0xbe: {  	s0 =	sor.u32 s1, s0  }
0xbf: {  	s0 =	sadd.s32 $0x8F2B, s0  }
0xc0: {  	[sflag:s0] =	ssyncadd.remote.s32 $0x1  }
0xc1: {  	_ =	sfence.sel $0xFFFF  }
0xc2: {  	[dreg:$0x0] =	wrdreg $0xFFFFFFFF;
	(pc) =	sbr.abs _section_cstart, $3  }
0xc3: {  	[dreg:$0x1] =	wrdreg $0xFFFFFFFF  }
0xc4: {  	_ =	task.clear_ibuf [dreg:s9], $0x2FFFF;
	_ =	strace $0x9FFFFFFF  }
0xc5: {  	(tm) =	ssettm $0x7FFFFFFF  }
tec
execute0_lowered:
.L_overlay_start_1:
0x0: {  	(tag) =	ssettag $0x1  }
0x1: {  	s1 =	rddreg [dreg:$0x0]  }
0x2: {  	s0 =	srdreg.scid;
	s3 =	stileid.u32  }
0x3: {  	s4 =	rddreg [dreg:$0x2];
	s5 =	simm.s32 $0x0;
	s15 =	simm.s32 $0x800  }
0x4: {  	s16 =	simm.s32 $0x4800;
	s17 =	simm.s32 $0x7;
	s18 =	simm.s32 $0x8800  }
0x5: {  	s19 =	simm.s32 $0x1;
	s20 =	simm.s32 $0xC800;
	s21 =	simm.s32 $0x2  }
0x6: {  	s22 =	simm.s32 $0x10800;
	s23 =	simm.s32 $0x3;
	s24 =	simm.s32 $0x6  }
0x7: {  	s25 =	simm.s32 $0x14800;
	s28 =	simm.s32 $0x5;
	s0 =	sand.u32 $0x1, s0  }
0x8: {  	s29 =	simm.s32 $0x0;
	s3 =	sshll.u32 s3, $0x9;
	s2 =	sshll.u32 s0, $0xD  }
0x9: {  	[smem:$0x7FF] =	sst s5;
	s0 =	ssub.s32 $0x2, s0;
	s6 =	sor.u32 s3, s2  }
0xa: {  	_ =	strace $0x80000047;
	s26 =	sshrl.u32 s0, $0x1;
	s2 =	sshll.u32 s6, $0x8  }
0xb: {  	s0 =	ssub.s32 s0, s26;
	s31 =	sshrl.u32 s6, $0x3;
	s26 =	simm.s32 $0x4  }
0xc: {  	s7 =	sadd.s32 s1, s2;
	s9 =	sor.u32 $0x2, s31;
	s0 =	smax.u32 s0, $0x1  }
0xd: {  	s2 =	sadd.s32 s2, s4;
	s30 =	sadd.s32 $0x800, s7;
	[dreg:$0x6] =	wrdreg s0  }
0xe: {  	s10 =	sor.u32 $0x3, s31;
	s2 =	sadd.s32 $0x1F800, s2;
	[dreg:$0x4] =	wrdreg s30  }
0xf: {  	s11 =	sor.u32 $0x1, s31;
	s12 =	sor.u32 $0x4, s31;
	[dreg:$0x5] =	wrdreg s2  }
.LBB2_1:
0x10: {  	[tilespmem:s15], [sflag:$0x1] =	stream.linear.gather [hbm4b:s7+s5], $0x4000, $0x38;
	[tilespmem:$0x18800] =	vst v63  }
0x11: {  	s0 =	rddreg [dreg:$0x4]  }
0x12: {  	[tilespmem:s16], [sflag:$0x2] =	stream.linear.gather [hbm4b:s0+s5], $0x4000, $0x38;
	[tilespmem:$0x18800] =	vst v63  }
0x13: {  	s31 =	rddreg [dreg:$0x1]  }
0x14: {  	[tilespmem:s5], [sflag:$0x7] =	stream.linear.gather [hbm4b:s31+s5], $0x800, $0x38;
	[tilespmem:$0x18800] =	vst v63  }
0x15: {  	_ =	swait.ge [sflag:s17], $0x800  }
0x16: {  	[sflag:s17] =	ssyncset.done $0x0  }
0x17: {  	s30 =	simm.s32 $0x0;
	[sflag:s17] =	ssyncadd.s32 $0xFFFFF800  }
.LBB2_2:
0x18: {  	s2 =	smul.u32 $0x3, s30;
	_ =	sdelay $0x1  }
0x19: {  	s0 =	sadd.s32 s9, s2  }
0x1a: {  	s31 =	sshll.u32 s0, $0xB  }
0x1b: {  	s0 =	sadd.s32 s1, s31  }
0x1c: {  	[tilespmem:s18], [sflag:$0x3] =	stream.linear.gather [hbm4b:s0+s5], $0x4000, $0x38;
	[tilespmem:$0x18800] =	vst v63  }
0x1d: {  	_ =	swait.ge [sflag:s19], $0x4000  }
0x1e: {  	p0 =	seq.s32 s30, $0x0;
	[sflag:s19] =	ssyncset.done $0x0  }
0x1f: {  	s0 =	simm.s32 @!p0 $0x4;
	[sflag:s19] =	ssyncadd.s32 $0xFFFFC000  }
0x20: {  	_ =	swait.ge @!p0 [sflag:s0], $0x4000  }
0x21: {  	[sflag:s0] =	ssyncset.done @!p0 $0x0  }
0x22: {  	s14 =	simm.s32 $0x40;
	[sflag:s0] =	ssyncadd.s32 @!p0 $0xFFFFC000  }
0x23: {  	v0 =	vld [tilespmem:s14+$0x30]  }
0x24: {  	v1 =	vld [tilespmem:s14+$0xFFFFFFD0]  }
0x25: {  	v6 =	vld [tilespmem:s14+$0xFFFFFFF0]  }
0x26: {  	v3 =	vld [tilespmem:s14+$0xFFFFFFE0]  }
0x27: {  	v5 =	vld [tilespmem:s14+$0xFFFFFFC0]  }
0x28: {  	v2 =	vshll.u32 v0, $0x3  }
0x29: {  	v0 =	vand.u32 $0x7F, v0;
	v2 =	vand.u32 $0xFFFFFC00, v2  }
0x2a: {  	v13 =	vshll.u32 v6, $0x3;
	v4 =	vor.u32 v0, v2;
	v0 =	vshll.u32 v1, $0x3  }
0x2b: {  	v6 =	vand.u32 $0x7F, v6;
	v2 =	vand.u32 $0xFFFFFC00, v0;
	v0 =	vshll.u32 v3, $0x3  }
0x2c: {  	v8 =	vld [tilespmem:s14+$0x10];
	v1 =	vand.u32 $0x7F, v1;
	v9 =	vand.u32 $0xFFFFFC00, v0;
	v0 =	vshll.u32 v5, $0x3  }
0x2d: {  	v7 =	vld [tilespmem:s14+$0x0];
	v5 =	vand.u32 $0x7F, v5;
	v2 =	vor.u32 v1, v2;
	v0 =	vand.u32 $0xFFFFFC00, v0  }
0x2e: {  	v3 =	vand.u32 $0x7F, v3;
	v0 =	vor.u32 v5, v0;
	v5 =	vand.u32 $0xFFFFFC00, v13  }
0x2f: {  	v1 =	vor.u32 v3, v9;
	v10 =	vld.idx.msk [tilespmem:v4+s15+$0x0], $0xffff;
	v3 =	vor.u32 v6, v5  }
0x30: {  	v12 =	vld [tilespmem:s14+$0x20];
	v11 =	vor.u32 $0x80, v4  }
0x31: {  	v9 =	vshll.u32 v8, $0x3  }
0x32: {  	v13 =	vshll.u32 v7, $0x3;
	v5 =	vand.u32 $0xFFFFFC00, v9;
	v9 =	vld.idx.msk [tilespmem:v2+s15+$0x0], $0xffff  }
0x33: {  	s0 =	simm.s32 $0xCA00;
	v15 =	vor.u32 $0x80, v2;
	v7 =	vand.u32 $0x7F, v7;
	v13 =	vand.u32 $0xFFFFFC00, v13  }
0x34: {  	v6 =	vand.u32 $0x7F, v8;
	[tilespmem:s0+$0xFFFFFE70] =	vst v10;
	v10 =	vor.u32 v7, v13;
	v14 =	vld.idx.msk [tilespmem:v3+s15+$0x0], $0xffff  }
0x35: {  	v8 =	vshll.u32 v12, $0x3;
	v7 =	vld.idx.msk [tilespmem:v11+s15+$0x0], $0xffff;
	v11 =	vor.u32 v6, v5  }
0x36: {  	v13 =	vor.u32 $0x100, v4;
	v5 =	vld.idx.msk [tilespmem:v0+s15+$0x0], $0xffff;
	v6 =	vand.u32 $0xFFFFFC00, v8;
	v8 =	vand.u32 $0x7F, v12  }
0x37: {  	v12 =	vor.u32 v8, v6;
	v6 =	vld.idx.msk [tilespmem:v1+s15+$0x0], $0xffff;
	v8 =	vor.u32 $0x80, v0;
	[tilespmem:s0+$0xFFFFFE10] =	vst v9  }
0x38: {  	v15 =	vld.idx.msk [tilespmem:v15+s15+$0x0], $0xffff  }
0x39: {  	v17 =	vor.u32 $0x80, v1;
	v16 =	vld.idx.msk [tilespmem:v10+s15+$0x0], $0xffff  }
0x3a: {  	v18 =	vld.idx.msk [tilespmem:v11+s15+$0x0], $0xffff;
	[tilespmem:s0+$0xFFFFFEF0] =	vst v7;
	v7 =	vor.u32 $0x80, v3  }
0x3b: {  	[tilespmem:s0+$0xFFFFFE00] =	vst v5;
	v5 =	vld.idx.msk [tilespmem:v13+s15+$0x0], $0xffff;
	v13 =	vor.u32 $0x80, v10  }
0x3c: {  	v19 =	vor.u32 $0x80, v11;
	[tilespmem:s0+$0xFFFFFE30] =	vst v14;
	v8 =	vld.idx.msk [tilespmem:v8+s15+$0x0], $0xffff  }
0x3d: {  	v9 =	vld.idx.msk [tilespmem:v12+s15+$0x0], $0xffff;
	[tilespmem:s0+$0xFFFFFE20] =	vst v6;
	v6 =	vor.u32 $0x180, v4  }
0x3e: {  	v14 =	vor.u32 $0x80, v12;
	v17 =	vld.idx.msk [tilespmem:v17+s15+$0x0], $0xffff;
	[tilespmem:s0+$0xFFFFFE40] =	vst v16  }
0x3f: {  	v16 =	vor.u32 $0x100, v0;
	v7 =	vld.idx.msk [tilespmem:v7+s15+$0x0], $0xffff;
	[tilespmem:s0+$0xFFFFFE50] =	vst v18  }
0x40: {  	v18 =	vor.u32 $0x100, v2;
	v13 =	vld.idx.msk [tilespmem:v13+s15+$0x0], $0xffff;
	[tilespmem:s0+$0xFFFFFF70] =	vst v5  }
0x41: {  	v5 =	vor.u32 $0x100, v1;
	[tilespmem:s0+$0xFFFFFE80] =	vst v8;
	v8 =	vld.idx.msk [tilespmem:v19+s15+$0x0], $0xffff  }
0x42: {  	[tilespmem:s0+$0xFFFFFE60] =	vst v9;
	v9 =	vor.u32 $0x100, v3;
	v6 =	vld.idx.msk [tilespmem:v6+s15+$0x0], $0xffff  }
0x43: {  	[tilespmem:s0+$0xFFFFFE90] =	vst v15;
	v19 =	vor.u32 $0x100, v10;
	v14 =	vld.idx.msk [tilespmem:v14+s15+$0x0], $0xffff  }
0x44: {  	[tilespmem:s0+$0xFFFFFEA0] =	vst v17;
	v17 =	vor.u32 $0x100, v11;
	v16 =	vld.idx.msk [tilespmem:v16+s15+$0x0], $0xffff  }
0x45: {  	v15 =	vor.u32 $0x200, v4;
	v18 =	vld.idx.msk [tilespmem:v18+s15+$0x0], $0xffff;
	[tilespmem:s0+$0xFFFFFEB0] =	vst v7  }
0x46: {  	v7 =	vor.u32 $0x100, v12;
	v5 =	vld.idx.msk [tilespmem:v5+s15+$0x0], $0xffff;
	[tilespmem:s0+$0xFFFFFEC0] =	vst v13  }
0x47: {  	v13 =	vor.u32 $0x180, v0;
	v9 =	vld.idx.msk [tilespmem:v9+s15+$0x0], $0xffff;
	[tilespmem:s0+$0xFFFFFED0] =	vst v8  }
0x48: {  	[tilespmem:s0+$0xFFFFFFF0] =	vst v6;
	v6 =	vor.u32 $0x180, v2;
	v19 =	vld.idx.msk [tilespmem:v19+s15+$0x0], $0xffff  }
0x49: {  	[tilespmem:s0+$0xFFFFFEE0] =	vst v14;
	v14 =	vld.idx.msk [tilespmem:v17+s15+$0x0], $0xffff;
	v17 =	vor.u32 $0x180, v3  }
0x4a: {  	v8 =	vld.idx.msk [tilespmem:v15+s15+$0x0], $0xffff;
	v15 =	vor.u32 $0x180, v1;
	[tilespmem:s0+$0xFFFFFF00] =	vst v16  }
0x4b: {  	v16 =	vor.u32 $0x280, v4;
	[tilespmem:s0+$0xFFFFFF10] =	vst v18;
	v7 =	vld.idx.msk [tilespmem:v7+s15+$0x0], $0xffff  }
0x4c: {  	v18 =	vor.u32 $0x180, v10;
	v13 =	vld.idx.msk [tilespmem:v13+s15+$0x0], $0xffff;
	[tilespmem:s0+$0xFFFFFF20] =	vst v5  }
0x4d: {  	v5 =	vor.u32 $0x180, v11;
	[tilespmem:s0+$0xFFFFFF30] =	vst v9;
	v6 =	vld.idx.msk [tilespmem:v6+s15+$0x0], $0xffff  }
0x4e: {  	v9 =	vor.u32 $0x180, v12;
	[tilespmem:s0+$0xFFFFFF40] =	vst v19;
	v17 =	vld.idx.msk [tilespmem:v17+s15+$0x0], $0xffff  }
0x4f: {  	v15 =	vld.idx.msk [tilespmem:v15+s15+$0x0], $0xffff;
	[tilespmem:s0+$0x70] =	vst v8;
	v8 =	vor.u32 $0x200, v0  }
0x50: {  	v19 =	vor.u32 $0x200, v2;
	[tilespmem:s0+$0xFFFFFF50] =	vst v14;
	v16 =	vld.idx.msk [tilespmem:v16+s15+$0x0], $0xffff  }
0x51: {  	v14 =	vld.idx.msk [tilespmem:v18+s15+$0x0], $0xffff;
	[tilespmem:s0+$0xFFFFFF60] =	vst v7;
	v7 =	vor.u32 $0x300, v4  }
0x52: {  	v18 =	vor.u32 $0x200, v1;
	[tilespmem:s0+$0xFFFFFF80] =	vst v13;
	v5 =	vld.idx.msk [tilespmem:v5+s15+$0x0], $0xffff  }
0x53: {  	v13 =	vor.u32 $0x200, v3;
	[tilespmem:s0+$0xFFFFFF90] =	vst v6;
	v6 =	vld.idx.msk [tilespmem:v9+s15+$0x0], $0xffff  }
0x54: {  	v9 =	vor.u32 $0x200, v10;
	v8 =	vld.idx.msk [tilespmem:v8+s15+$0x0], $0xffff;
	[tilespmem:s0+$0xFFFFFFA0] =	vst v15  }
0x55: {  	v15 =	vor.u32 $0x200, v11;
	v19 =	vld.idx.msk [tilespmem:v19+s15+$0x0], $0xffff;
	[tilespmem:s0+$0xF0] =	vst v16  }
0x56: {  	[tilespmem:s0+$0xFFFFFFB0] =	vst v17;
	v16 =	vor.u32 $0x200, v12;
	v7 =	vld.idx.msk [tilespmem:v7+s15+$0x0], $0xffff  }
0x57: {  	v17 =	vor.u32 $0x280, v0;
	v18 =	vld.idx.msk [tilespmem:v18+s15+$0x0], $0xffff;
	[tilespmem:s0+$0xFFFFFFC0] =	vst v14  }
0x58: {  	v4 =	vor.u32 $0x380, v4;
	v13 =	vld.idx.msk [tilespmem:v13+s15+$0x0], $0xffff;
	[tilespmem:s0+$0xFFFFFFD0] =	vst v5  }
0x59: {  	v5 =	vor.u32 $0x280, v2;
	v9 =	vld.idx.msk [tilespmem:v9+s15+$0x0], $0xffff;
	[tilespmem:s0+$0xFFFFFFE0] =	vst v6  }
0x5a: {  	v6 =	vor.u32 $0x280, v1;
	[tilespmem:s0+$0x0] =	vst v8;
	v8 =	vld.idx.msk [tilespmem:v15+s15+$0x0], $0xffff  }
0x5b: {  	v14 =	vor.u32 $0x280, v3;
	[tilespmem:s0+$0x10] =	vst v19;
	v15 =	vld.idx.msk [tilespmem:v16+s15+$0x0], $0xffff  }
0x5c: {  	v16 =	vor.u32 $0x280, v10;
	v17 =	vld.idx.msk [tilespmem:v17+s15+$0x0], $0xffff;
	[tilespmem:s0+$0x170] =	vst v7  }
0x5d: {  	v7 =	vor.u32 $0x280, v11;
	[tilespmem:s0+$0x20] =	vst v18;
	v4 =	vld.idx.msk [tilespmem:v4+s15+$0x0], $0xffff  }
0x5e: {  	v18 =	vor.u32 $0x280, v12;
	v5 =	vld.idx.msk [tilespmem:v5+s15+$0x0], $0xffff;
	[tilespmem:s0+$0x30] =	vst v13  }
0x5f: {  	v13 =	vor.u32 $0x300, v0;
	v6 =	vld.idx.msk [tilespmem:v6+s15+$0x0], $0xffff;
	[tilespmem:s0+$0x40] =	vst v9  }
0x60: {  	v9 =	vor.u32 $0x300, v2;
	v19 =	vld.idx.msk [tilespmem:v14+s15+$0x0], $0xffff;
	[tilespmem:s0+$0x50] =	vst v8  }
0x61: {  	v20 =	vor.u32 $0x300, v1;
	v21 =	vld.idx.msk [tilespmem:v16+s15+$0x0], $0xffff;
	[tilespmem:s0+$0x60] =	vst v15  }
0x62: {  	v22 =	vor.u32 $0x300, v3;
	[tilespmem:s0+$0x80] =	vst v17;
	v17 =	vld.idx.msk [tilespmem:v7+s15+$0x0], $0xffff  }
0x63: {  	v23 =	vor.u32 $0x300, v10;
	v15 =	vld.idx.msk [tilespmem:v18+s15+$0x0], $0xffff;
	[tilespmem:s0+$0x1F0] =	vst v4  }
0x64: {  	v14 =	vld.idx.msk [tilespmem:v13+s15+$0x0], $0xffff;
	[tilespmem:s0+$0x90] =	vst v5  }
0x65: {  	v13 =	vld.idx.msk [tilespmem:v9+s15+$0x0], $0xffff;
	[tilespmem:s0+$0xA0] =	vst v6  }
0x66: {  	s3 =	smul.u32 $0x18, s30;
	v8 =	vor.u32 $0x300, v11;
	v7 =	vor.u32 $0x380, v0;
	v0 =	vor.u32 $0x380, v12;
	[tilespmem:s0+$0xB0] =	vst v19;
	v16 =	vld.idx.msk [tilespmem:v20+s15+$0x0], $0xffff  }
0x67: {  	s13 =	simm.s32 $0x0;
	v5 =	vor.u32 $0x380, v1;
	v4 =	vor.u32 $0x380, v3;
	v1 =	vor.u32 $0x380, v11;
	v3 =	vld.idx.msk [tilespmem:v22+s15+$0x0], $0xffff;
	[tilespmem:s0+$0xC0] =	vst v21  }
0x68: {  	s8 =	simm.s32 $0xCA00;
	s3 =	sadd.s32 s6, s3;
	s14 =	simm.s32 $0xC0;
	v6 =	vor.u32 $0x380, v2;
	v9 =	vor.u32 $0x300, v12;
	v2 =	vor.u32 $0x380, v10;
	v10 =	vld.idx.msk [tilespmem:v23+s15+$0x0], $0xffff;
	[tilespmem:s0+$0xD0] =	vst v17  }
.LBB2_3:
0x69: {  	v11 =	vld [tilespmem:s14+$0x30];
	s13 =	sadd.s32 $0x8, s13;
	[tilespmem:s0+$0xE0] =	vst v15  }
0x6a: {  	v12 =	vld [tilespmem:s14+$0xFFFFFFD0];
	p1 =	slt.u32 s13, $0x78;
	[tilespmem:s0+$0x100] =	vst v14  }
0x6b: {  	v14 =	vld [tilespmem:s14+$0xFFFFFFE0];
	[tilespmem:s0+$0x110] =	vst v13  }
0x6c: {  	v13 =	vld [tilespmem:s14+$0xFFFFFFF0];
	[tilespmem:s0+$0x120] =	vst v16  }
0x6d: {  	v15 =	vld [tilespmem:s14+$0x0];
	[tilespmem:s0+$0x130] =	vst v3  }
0x6e: {  	v16 =	vld [tilespmem:s14+$0x10];
	v3 =	vshll.u32 v11, $0x3;
	[tilespmem:s0+$0x140] =	vst v10  }
0x6f: {  	v11 =	vand.u32 $0x7F, v11;
	v10 =	vshll.u32 v12, $0x3;
	v17 =	vld [tilespmem:s14+$0x20];
	v3 =	vand.u32 $0xFFFFFC00, v3  }
0x70: {  	v18 =	vld [tilespmem:s14+$0xFFFFFFC0];
	v10 =	vand.u32 $0xFFFFFC00, v10;
	v19 =	vshll.u32 v14, $0x3;
	v3 =	vor.u32 v11, v3  }
0x71: {  	v11 =	vand.u32 $0x7F, v12;
	v12 =	vand.u32 $0xFFFFFC00, v19;
	v19 =	vshll.u32 v13, $0x3;
	v8 =	vld.idx.msk [tilespmem:v8+s15+$0x0], $0xffff  }
0x72: {  	v14 =	vand.u32 $0x7F, v14;
	v19 =	vand.u32 $0xFFFFFC00, v19;
	v20 =	vshll.u32 v15, $0x3;
	v9 =	vld.idx.msk [tilespmem:v9+s15+$0x0], $0xffff  }
0x73: {  	v13 =	vand.u32 $0x7F, v13;
	v20 =	vand.u32 $0xFFFFFC00, v20;
	v21 =	vshll.u32 v16, $0x3;
	v7 =	vld.idx.msk [tilespmem:v7+s15+$0x0], $0xffff  }
0x74: {  	v15 =	vand.u32 $0x7F, v15;
	v21 =	vand.u32 $0xFFFFFC00, v21;
	v22 =	vshll.u32 v17, $0x3;
	v6 =	vld.idx.msk [tilespmem:v6+s15+$0x0], $0xffff  }
0x75: {  	v23 =	vand.u32 $0x7F, v18;
	v18 =	vshll.u32 v18, $0x3;
	v22 =	vand.u32 $0xFFFFFC00, v22;
	v24 =	vld.idx.msk [tilespmem:v3+s15+$0x0], $0xffff  }
0x76: {  	v16 =	vand.u32 $0x7F, v16;
	v17 =	vand.u32 $0x7F, v17;
	v18 =	vand.u32 $0xFFFFFC00, v18;
	v5 =	vld.idx.msk [tilespmem:v5+s15+$0x0], $0xffff  }
0x77: {  	v25 =	vor.u32 v11, v10;
	v10 =	vor.u32 $0x80, v3;
	v23 =	vor.u32 v23, v18;
	v4 =	vld.idx.msk [tilespmem:v4+s15+$0x0], $0xffff;
	[tilespmem:s0+$0x150] =	vst v8  }
0x78: {  	v26 =	vor.u32 v14, v12;
	v27 =	vor.u32 v13, v19;
	v28 =	vor.u32 v15, v20;
	[tilespmem:s0+$0x160] =	vst v9  }
0x79: {  	v21 =	vor.u32 v16, v21;
	v22 =	vor.u32 v17, v22;
	v8 =	vor.u32 $0x80, v23;
	[tilespmem:s0+$0x180] =	vst v7;
	v2 =	vld.idx.msk [tilespmem:v2+s15+$0x0], $0xffff  }
0x7a: {  	v29 =	vor.u32 $0x80, v27;
	v9 =	vor.u32 $0x80, v26;
	v7 =	vor.u32 $0x80, v25;
	s0 =	sadd.s32 $0x400, s0;
	[tilespmem:s8+$0x190] =	vst v6;
	v1 =	vld.idx.msk [tilespmem:v1+s15+$0x0], $0xffff  }
0x7b: {  	v30 =	vor.u32 $0x80, v28;
	v31 =	vor.u32 $0x80, v21;
	v32 =	vor.u32 $0x80, v22;
	[tilespmem:s0+$0xFFFFFE70] =	vst v24;
	v0 =	vld.idx.msk [tilespmem:v0+s15+$0x0], $0xffff  }
0x7c: {  	v33 =	vor.u32 $0x100, v25;
	v34 =	vor.u32 $0x100, v26;
	v24 =	vor.u32 $0x100, v23;
	v6 =	vld.idx.msk [tilespmem:v10+s15+$0x0], $0xffff;
	[tilespmem:s8+$0x1A0] =	vst v5  }
0x7d: {  	v35 =	vor.u32 $0x100, v27;
	v36 =	vor.u32 $0x100, v28;
	v37 =	vor.u32 $0x100, v21;
	v5 =	vld.idx.msk [tilespmem:v23+s15+$0x0], $0xffff;
	[tilespmem:s8+$0x1B0] =	vst v4  }
0x7e: {  	v39 =	vor.u32 $0x100, v22;
	v38 =	vor.u32 $0x180, v23;
	v10 =	vor.u32 $0x100, v3;
	v4 =	vld.idx.msk [tilespmem:v25+s15+$0x0], $0xffff  }
0x7f: {  	v40 =	vor.u32 $0x180, v25;
	v41 =	vor.u32 $0x180, v26;
	v42 =	vor.u32 $0x180, v27;
	v11 =	vld.idx.msk [tilespmem:v26+s15+$0x0], $0xffff;
	[tilespmem:s8+$0x1C0] =	vst v2  }
0x80: {  	v43 =	vor.u32 $0x180, v28;
	v44 =	vor.u32 $0x180, v21;
	v45 =	vor.u32 $0x180, v22;
	v2 =	vld.idx.msk [tilespmem:v27+s15+$0x0], $0xffff;
	[tilespmem:s8+$0x1D0] =	vst v1  }
0x81: {  	v47 =	vor.u32 $0x200, v25;
	v48 =	vor.u32 $0x200, v26;
	v46 =	vor.u32 $0x200, v23;
	v1 =	vld.idx.msk [tilespmem:v28+s15+$0x0], $0xffff;
	[tilespmem:s8+$0x1E0] =	vst v0;
	s8 =	smov.u32 s0  }
0x82: {  	v49 =	vor.u32 $0x200, v27;
	v50 =	vor.u32 $0x200, v28;
	v51 =	vor.u32 $0x200, v21;
	v0 =	vld.idx.msk [tilespmem:v21+s15+$0x0], $0xffff;
	[tilespmem:s0+$0xFFFFFEF0] =	vst v6  }
0x83: {  	v18 =	vor.u32 $0x280, v25;
	v53 =	vor.u32 $0x200, v22;
	v52 =	vor.u32 $0x280, v23;
	[tilespmem:s0+$0xFFFFFE00] =	vst v5;
	v54 =	vld.idx.msk [tilespmem:v10+s15+$0x0], $0xffff  }
0x84: {  	v20 =	vor.u32 $0x280, v26;
	v19 =	vor.u32 $0x280, v27;
	v15 =	vor.u32 $0x280, v28;
	[tilespmem:s0+$0xFFFFFE10] =	vst v4;
	v55 =	vld.idx.msk [tilespmem:v22+s15+$0x0], $0xffff  }
0x85: {  	v57 =	vor.u32 $0x180, v3;
	v17 =	vor.u32 $0x280, v21;
	v16 =	vor.u32 $0x280, v22;
	v56 =	vld.idx.msk [tilespmem:v8+s15+$0x0], $0xffff;
	[tilespmem:s0+$0xFFFFFE20] =	vst v11  }
0x86: {  	v13 =	vor.u32 $0x300, v25;
	v14 =	vor.u32 $0x300, v23;
	v10 =	vor.u32 $0x300, v26;
	v58 =	vld.idx.msk [tilespmem:v7+s15+$0x0], $0xffff;
	[tilespmem:s0+$0xFFFFFE30] =	vst v2  }
0x87: {  	v12 =	vor.u32 $0x300, v27;
	v11 =	vor.u32 $0x300, v28;
	v8 =	vor.u32 $0x300, v21;
	v59 =	vld.idx.msk [tilespmem:v9+s15+$0x0], $0xffff;
	[tilespmem:s0+$0xFFFFFE40] =	vst v1  }
0x88: {  	v6 =	vor.u32 $0x380, v25;
	v7 =	vor.u32 $0x380, v23;
	v9 =	vor.u32 $0x300, v22;
	v23 =	vld.idx.msk [tilespmem:v29+s15+$0x0], $0xffff;
	[tilespmem:s0+$0xFFFFFE50] =	vst v0  }
0x89: {  	v5 =	vor.u32 $0x380, v26;
	v4 =	vor.u32 $0x380, v27;
	v2 =	vor.u32 $0x380, v28;
	v25 =	vld.idx.msk [tilespmem:v30+s15+$0x0], $0xffff;
	[tilespmem:s0+$0xFFFFFF70] =	vst v54  }
0x8a: {  	v1 =	vor.u32 $0x380, v21;
	v0 =	vor.u32 $0x380, v22;
	[tilespmem:s0+$0xFFFFFE60] =	vst v55;
	v21 =	vld.idx.msk [tilespmem:v57+s15+$0x0], $0xffff  }
0x8b: {  	[tilespmem:s0+$0xFFFFFE80] =	vst v56;
	v22 =	vld.idx.msk [tilespmem:v31+s15+$0x0], $0xffff  }
0x8c: {  	v27 =	vor.u32 $0x200, v3;
	[tilespmem:s0+$0xFFFFFE90] =	vst v58;
	v26 =	vld.idx.msk [tilespmem:v32+s15+$0x0], $0xffff  }
0x8d: {  	v24 =	vld.idx.msk [tilespmem:v24+s15+$0x0], $0xffff;
	[tilespmem:s0+$0xFFFFFEA0] =	vst v59  }
0x8e: {  	v28 =	vld.idx.msk [tilespmem:v33+s15+$0x0], $0xffff;
	[tilespmem:s0+$0xFFFFFEB0] =	vst v23  }
0x8f: {  	v23 =	vld.idx.msk [tilespmem:v34+s15+$0x0], $0xffff;
	[tilespmem:s0+$0xFFFFFEC0] =	vst v25  }
0x90: {  	v25 =	vld.idx.msk [tilespmem:v35+s15+$0x0], $0xffff;
	[tilespmem:s0+$0xFFFFFFF0] =	vst v21  }
0x91: {  	[tilespmem:s0+$0xFFFFFED0] =	vst v22;
	v21 =	vld.idx.msk [tilespmem:v27+s15+$0x0], $0xffff  }
0x92: {  	v22 =	vld.idx.msk [tilespmem:v36+s15+$0x0], $0xffff;
	[tilespmem:s0+$0xFFFFFEE0] =	vst v26  }
0x93: {  	v26 =	vor.u32 $0x280, v3;
	[tilespmem:s0+$0xFFFFFF00] =	vst v24;
	v24 =	vld.idx.msk [tilespmem:v37+s15+$0x0], $0xffff  }
0x94: {  	[tilespmem:s0+$0xFFFFFF10] =	vst v28;
	v27 =	vld.idx.msk [tilespmem:v39+s15+$0x0], $0xffff  }
0x95: {  	v28 =	vld.idx.msk [tilespmem:v38+s15+$0x0], $0xffff;
	[tilespmem:s0+$0xFFFFFF20] =	vst v23  }
0x96: {  	v23 =	vld.idx.msk [tilespmem:v40+s15+$0x0], $0xffff;
	[tilespmem:s0+$0xFFFFFF30] =	vst v25  }
0x97: {  	v25 =	vld.idx.msk [tilespmem:v41+s15+$0x0], $0xffff;
	[tilespmem:s0+$0x70] =	vst v21  }
0x98: {  	[tilespmem:s0+$0xFFFFFF40] =	vst v22;
	v21 =	vld.idx.msk [tilespmem:v26+s15+$0x0], $0xffff  }
0x99: {  	v22 =	vld.idx.msk [tilespmem:v42+s15+$0x0], $0xffff;
	[tilespmem:s0+$0xFFFFFF50] =	vst v24  }
0x9a: {  	v26 =	vor.u32 $0x300, v3;
	v24 =	vld.idx.msk [tilespmem:v43+s15+$0x0], $0xffff;
	[tilespmem:s0+$0xFFFFFF60] =	vst v27  }
0x9b: {  	[tilespmem:s0+$0xFFFFFF80] =	vst v28;
	v27 =	vld.idx.msk [tilespmem:v44+s15+$0x0], $0xffff  }
0x9c: {  	[tilespmem:s0+$0xFFFFFF90] =	vst v23;
	v23 =	vld.idx.msk [tilespmem:v45+s15+$0x0], $0xffff  }
0x9d: {  	v28 =	vld.idx.msk [tilespmem:v46+s15+$0x0], $0xffff;
	[tilespmem:s0+$0xFFFFFFA0] =	vst v25  }
0x9e: {  	v25 =	vld.idx.msk [tilespmem:v47+s15+$0x0], $0xffff;
	[tilespmem:s0+$0xF0] =	vst v21  }
0x9f: {  	[tilespmem:s0+$0xFFFFFFB0] =	vst v22;
	v21 =	vld.idx.msk [tilespmem:v26+s15+$0x0], $0xffff  }
0xa0: {  	v22 =	vld.idx.msk [tilespmem:v48+s15+$0x0], $0xffff;
	[tilespmem:s0+$0xFFFFFFC0] =	vst v24  }
0xa1: {  	v3 =	vor.u32 $0x380, v3;
	v24 =	vld.idx.msk [tilespmem:v49+s15+$0x0], $0xffff;
	[tilespmem:s0+$0xFFFFFFD0] =	vst v27  }
0xa2: {  	v26 =	vld.idx.msk [tilespmem:v50+s15+$0x0], $0xffff;
	[tilespmem:s0+$0xFFFFFFE0] =	vst v23  }
0xa3: {  	[tilespmem:s0+$0x0] =	vst v28;
	v23 =	vld.idx.msk [tilespmem:v51+s15+$0x0], $0xffff  }
0xa4: {  	[tilespmem:s0+$0x10] =	vst v25;
	v25 =	vld.idx.msk [tilespmem:v53+s15+$0x0], $0xffff  }
0xa5: {  	v27 =	vld.idx.msk [tilespmem:v52+s15+$0x0], $0xffff;
	[tilespmem:s0+$0x170] =	vst v21  }
0xa6: {  	[tilespmem:s0+$0x20] =	vst v22;
	v3 =	vld.idx.msk [tilespmem:v3+s15+$0x0], $0xffff  }
0xa7: {  	v18 =	vld.idx.msk [tilespmem:v18+s15+$0x0], $0xffff;
	[tilespmem:s0+$0x30] =	vst v24  }
0xa8: {  	v20 =	vld.idx.msk [tilespmem:v20+s15+$0x0], $0xffff;
	[tilespmem:s0+$0x40] =	vst v26  }
0xa9: {  	v19 =	vld.idx.msk [tilespmem:v19+s15+$0x0], $0xffff;
	[tilespmem:s0+$0x50] =	vst v23  }
0xaa: {  	v21 =	vld.idx.msk [tilespmem:v15+s15+$0x0], $0xffff;
	[tilespmem:s0+$0x60] =	vst v25  }
0xab: {  	[tilespmem:s0+$0x80] =	vst v27;
	v17 =	vld.idx.msk [tilespmem:v17+s15+$0x0], $0xffff  }
0xac: {  	v15 =	vld.idx.msk [tilespmem:v16+s15+$0x0], $0xffff;
	[tilespmem:s0+$0x1F0] =	vst v3  }
.Ltmp0:
0xad: {  	v14 =	vld.idx.msk [tilespmem:v14+s15+$0x0], $0xffff;
	[tilespmem:s0+$0x90] =	vst v18;
	(pc) =	sbr.rel @p1 .LBB2_3-.Ltmp0, $4  }
0xae: {  	v13 =	vld.idx.msk [tilespmem:v13+s15+$0x0], $0xffff;
	[tilespmem:s0+$0xA0] =	vst v20  }
0xaf: {  	v16 =	vld.idx.msk [tilespmem:v10+s15+$0x0], $0xffff;
	[tilespmem:s0+$0xB0] =	vst v19  }
0xb0: {  	v3 =	vld.idx.msk [tilespmem:v12+s15+$0x0], $0xffff;
	[tilespmem:s0+$0xC0] =	vst v21  }
0xb1: {  	s14 =	sadd.s32 $0x80, s14;
	v10 =	vld.idx.msk [tilespmem:v11+s15+$0x0], $0xffff;
	[tilespmem:s0+$0xD0] =	vst v17  }
0xb2: {  	_ =	sdelay $0x2  }
0xb3: {  	[tilespmem:s0+$0xE0] =	vst v15  }
0xb4: {  	[tilespmem:s0+$0x100] =	vst v14;
	v8 =	vld.idx.msk [tilespmem:v8+s15+$0x0], $0xffff  }
0xb5: {  	[tilespmem:s0+$0x110] =	vst v13;
	v9 =	vld.idx.msk [tilespmem:v9+s15+$0x0], $0xffff  }
0xb6: {  	v7 =	vld.idx.msk [tilespmem:v7+s15+$0x0], $0xffff;
	[tilespmem:s0+$0x120] =	vst v16  }
0xb7: {  	[tilespmem:s0+$0x130] =	vst v3;
	v3 =	vld.idx.msk [tilespmem:v6+s15+$0x0], $0xffff  }
0xb8: {  	v5 =	vld.idx.msk [tilespmem:v5+s15+$0x0], $0xffff;
	[tilespmem:s0+$0x140] =	vst v10  }
0xb9: {  	v4 =	vld.idx.msk [tilespmem:v4+s15+$0x0], $0xffff;
	[tilespmem:s0+$0x150] =	vst v8  }
0xba: {  	v2 =	vld.idx.msk [tilespmem:v2+s15+$0x0], $0xffff;
	[tilespmem:s0+$0x160] =	vst v9  }
0xbb: {  	[tilespmem:s0+$0x180] =	vst v7;
	v1 =	vld.idx.msk [tilespmem:v1+s15+$0x0], $0xffff  }
0xbc: {  	v0 =	vld.idx.msk [tilespmem:v0+s15+$0x0], $0xffff;
	[tilespmem:s8+$0x190] =	vst v3  }
0xbd: {  	[tilespmem:s8+$0x1A0] =	vst v5  }
0xbe: {  	[tilespmem:s8+$0x1B0] =	vst v4  }
0xbf: {  	[tilespmem:s8+$0x1C0] =	vst v2  }
0xc0: {  	s3 =	sshll.u32 s3, $0x8;
	[tilespmem:s8+$0x1D0] =	vst v1  }
0xc1: {  	s13 =	sadd.s32 s10, s2;
	s0 =	sadd.s32 s4, s3;
	[tilespmem:s8+$0x1E0] =	vst v0  }
0xc2: {  	[hbm4b:s0+s5] =	stream.linear.scatter [tilespmem:s20], [sflag:$0x4], $0x4000, $0x38;
	[tilespmem:$0x18800] =	vst v63  }
0xc3: {  	s0 =	sshll.u32 s13, $0xB  }
0xc4: {  	s0 =	sadd.s32 s1, s0  }
0xc5: {  	[tilespmem:s15], [sflag:$0x1] =	stream.linear.gather [hbm4b:s0+s5], $0x4000, $0x38;
	[tilespmem:$0x18800] =	vst v63  }
0xc6: {  	_ =	swait.ge [sflag:s21], $0x4000  }
0xc7: {  	[sflag:s21] =	ssyncset.done $0x0  }
0xc8: {  	s0 =	simm.s32 @!p0 $0x5;
	[sflag:s21] =	ssyncadd.s32 $0xFFFFC000  }
0xc9: {  	_ =	swait.ge @!p0 [sflag:s0], $0x4000  }
0xca: {  	[sflag:s0] =	ssyncset.done @!p0 $0x0  }
0xcb: {  	s14 =	simm.s32 $0x40;
	[sflag:s0] =	ssyncadd.s32 @!p0 $0xFFFFC000  }
0xcc: {  	v0 =	vld [tilespmem:s14+$0x30];
	_ =	sdelay $0x3  }
0xcd: {  	v1 =	vld [tilespmem:s14+$0xFFFFFFD0]  }
0xce: {  	v2 =	vshll.u32 v0, $0x3  }
0xcf: {  	v3 =	vld [tilespmem:s14+$0xFFFFFFE0];
	v0 =	vand.u32 $0x7F, v0;
	v2 =	vand.u32 $0xFFFFFC00, v2  }
0xd0: {  	v5 =	vld [tilespmem:s14+$0xFFFFFFC0];
	v4 =	vor.u32 v0, v2;
	_ =	sdelay $0x1  }
0xd1: {  	v2 =	vld [tilespmem:s14+$0xFFFFFFF0];
	v0 =	vshll.u32 v1, $0x3  }
0xd2: {  	v7 =	vld [tilespmem:s14+$0x10];
	v1 =	vand.u32 $0x7F, v1;
	v8 =	vand.u32 $0xFFFFFC00, v0  }
0xd3: {  	v6 =	vld [tilespmem:s14+$0x0];
	v0 =	vshll.u32 v3, $0x3;
	v1 =	vor.u32 v1, v8  }
0xd4: {  	v11 =	vor.u32 $0x80, v4;
	v9 =	vand.u32 $0xFFFFFC00, v0;
	v0 =	vshll.u32 v5, $0x3;
	v10 =	vld.idx.msk [tilespmem:v4+s16+$0x0], $0xffff  }
0xd5: {  	v12 =	vld [tilespmem:s14+$0x20];
	v3 =	vand.u32 $0x7F, v3;
	v5 =	vand.u32 $0x7F, v5;
	v0 =	vand.u32 $0xFFFFFC00, v0  }
0xd6: {  	v0 =	vor.u32 v5, v0;
	v13 =	vshll.u32 v2, $0x3;
	v8 =	vand.u32 $0x7F, v2  }
0xd7: {  	v2 =	vor.u32 v3, v9;
	v9 =	vshll.u32 v7, $0x3;
	v5 =	vand.u32 $0xFFFFFC00, v13  }
0xd8: {  	s0 =	simm.s32 $0x10A00;
	v13 =	vshll.u32 v6, $0x3;
	v3 =	vor.u32 v8, v5;
	v5 =	vand.u32 $0xFFFFFC00, v9;
	v9 =	vld.idx.msk [tilespmem:v1+s16+$0x0], $0xffff  }
0xd9: {  	v15 =	vor.u32 $0x80, v1;
	v6 =	vand.u32 $0x7F, v6;
	v13 =	vand.u32 $0xFFFFFC00, v13;
	[tilespmem:s0+$0xFFFFFE70] =	vst v10  }
0xda: {  	v7 =	vand.u32 $0x7F, v7;
	v8 =	vshll.u32 v12, $0x3;
	v10 =	vor.u32 v6, v13;
	v6 =	vld.idx.msk [tilespmem:v11+s16+$0x0], $0xffff  }
0xdb: {  	v11 =	vor.u32 v7, v5;
	v5 =	vld.idx.msk [tilespmem:v0+s16+$0x0], $0xffff;
	v7 =	vand.u32 $0xFFFFFC00, v8;
	v8 =	vand.u32 $0x7F, v12  }
0xdc: {  	v13 =	vor.u32 $0x100, v4;
	v12 =	vor.u32 v8, v7;
	v7 =	vld.idx.msk [tilespmem:v2+s16+$0x0], $0xffff  }
0xdd: {  	v8 =	vor.u32 $0x80, v0;
	v14 =	vld.idx.msk [tilespmem:v3+s16+$0x0], $0xffff;
	[tilespmem:s0+$0xFFFFFE10] =	vst v9  }
0xde: {  	v15 =	vld.idx.msk [tilespmem:v15+s16+$0x0], $0xffff  }
0xdf: {  	v17 =	vor.u32 $0x80, v2;
	v16 =	vld.idx.msk [tilespmem:v10+s16+$0x0], $0xffff  }
0xe0: {  	v18 =	vld.idx.msk [tilespmem:v11+s16+$0x0], $0xffff;
	[tilespmem:s0+$0xFFFFFEF0] =	vst v6;
	v6 =	vor.u32 $0x80, v3  }
0xe1: {  	[tilespmem:s0+$0xFFFFFE00] =	vst v5;
	v5 =	vld.idx.msk [tilespmem:v13+s16+$0x0], $0xffff;
	v13 =	vor.u32 $0x80, v10  }
0xe2: {  	v19 =	vor.u32 $0x80, v11;
	v8 =	vld.idx.msk [tilespmem:v8+s16+$0x0], $0xffff;
	[tilespmem:s0+$0xFFFFFE20] =	vst v7  }
0xe3: {  	v9 =	vld.idx.msk [tilespmem:v12+s16+$0x0], $0xffff;
	v7 =	vor.u32 $0x180, v4;
	[tilespmem:s0+$0xFFFFFE30] =	vst v14  }
0xe4: {  	v14 =	vor.u32 $0x80, v12;
	v17 =	vld.idx.msk [tilespmem:v17+s16+$0x0], $0xffff;
	[tilespmem:s0+$0xFFFFFE40] =	vst v16  }
0xe5: {  	v16 =	vor.u32 $0x100, v0;
	v6 =	vld.idx.msk [tilespmem:v6+s16+$0x0], $0xffff;
	[tilespmem:s0+$0xFFFFFE50] =	vst v18  }
0xe6: {  	v18 =	vor.u32 $0x100, v1;
	v13 =	vld.idx.msk [tilespmem:v13+s16+$0x0], $0xffff;
	[tilespmem:s0+$0xFFFFFF70] =	vst v5  }
0xe7: {  	v5 =	vor.u32 $0x100, v2;
	[tilespmem:s0+$0xFFFFFE80] =	vst v8;
	v8 =	vld.idx.msk [tilespmem:v19+s16+$0x0], $0xffff  }
0xe8: {  	[tilespmem:s0+$0xFFFFFE60] =	vst v9;
	v9 =	vor.u32 $0x100, v3;
	v7 =	vld.idx.msk [tilespmem:v7+s16+$0x0], $0xffff  }
0xe9: {  	[tilespmem:s0+$0xFFFFFE90] =	vst v15;
	v19 =	vor.u32 $0x100, v10;
	v14 =	vld.idx.msk [tilespmem:v14+s16+$0x0], $0xffff  }
0xea: {  	[tilespmem:s0+$0xFFFFFEA0] =	vst v17;
	v17 =	vor.u32 $0x100, v11;
	v16 =	vld.idx.msk [tilespmem:v16+s16+$0x0], $0xffff  }
0xeb: {  	v15 =	vor.u32 $0x200, v4;
	v18 =	vld.idx.msk [tilespmem:v18+s16+$0x0], $0xffff;
	[tilespmem:s0+$0xFFFFFEB0] =	vst v6  }
0xec: {  	v6 =	vor.u32 $0x100, v12;
	v5 =	vld.idx.msk [tilespmem:v5+s16+$0x0], $0xffff;
	[tilespmem:s0+$0xFFFFFEC0] =	vst v13  }
0xed: {  	v13 =	vor.u32 $0x180, v0;
	v9 =	vld.idx.msk [tilespmem:v9+s16+$0x0], $0xffff;
	[tilespmem:s0+$0xFFFFFED0] =	vst v8  }
0xee: {  	[tilespmem:s0+$0xFFFFFFF0] =	vst v7;
	v7 =	vor.u32 $0x180, v1;
	v19 =	vld.idx.msk [tilespmem:v19+s16+$0x0], $0xffff  }
0xef: {  	[tilespmem:s0+$0xFFFFFEE0] =	vst v14;
	v14 =	vld.idx.msk [tilespmem:v17+s16+$0x0], $0xffff;
	v17 =	vor.u32 $0x180, v3  }
0xf0: {  	v8 =	vld.idx.msk [tilespmem:v15+s16+$0x0], $0xffff;
	v15 =	vor.u32 $0x180, v2;
	[tilespmem:s0+$0xFFFFFF00] =	vst v16  }
0xf1: {  	v16 =	vor.u32 $0x280, v4;
	[tilespmem:s0+$0xFFFFFF10] =	vst v18;
	v6 =	vld.idx.msk [tilespmem:v6+s16+$0x0], $0xffff  }
0xf2: {  	v18 =	vor.u32 $0x180, v10;
	v13 =	vld.idx.msk [tilespmem:v13+s16+$0x0], $0xffff;
	[tilespmem:s0+$0xFFFFFF20] =	vst v5  }
0xf3: {  	v5 =	vor.u32 $0x180, v11;
	[tilespmem:s0+$0xFFFFFF30] =	vst v9;
	v7 =	vld.idx.msk [tilespmem:v7+s16+$0x0], $0xffff  }
0xf4: {  	v9 =	vor.u32 $0x180, v12;
	[tilespmem:s0+$0xFFFFFF40] =	vst v19;
	v17 =	vld.idx.msk [tilespmem:v17+s16+$0x0], $0xffff  }
0xf5: {  	v15 =	vld.idx.msk [tilespmem:v15+s16+$0x0], $0xffff;
	[tilespmem:s0+$0x70] =	vst v8;
	v8 =	vor.u32 $0x200, v0  }
0xf6: {  	v19 =	vor.u32 $0x200, v1;
	[tilespmem:s0+$0xFFFFFF50] =	vst v14;
	v16 =	vld.idx.msk [tilespmem:v16+s16+$0x0], $0xffff  }
0xf7: {  	v14 =	vld.idx.msk [tilespmem:v18+s16+$0x0], $0xffff;
	[tilespmem:s0+$0xFFFFFF60] =	vst v6;
	v6 =	vor.u32 $0x300, v4  }
0xf8: {  	v18 =	vor.u32 $0x200, v2;
	[tilespmem:s0+$0xFFFFFF80] =	vst v13;
	v5 =	vld.idx.msk [tilespmem:v5+s16+$0x0], $0xffff  }
0xf9: {  	v13 =	vor.u32 $0x200, v3;
	[tilespmem:s0+$0xFFFFFF90] =	vst v7;
	v7 =	vld.idx.msk [tilespmem:v9+s16+$0x0], $0xffff  }
0xfa: {  	v9 =	vor.u32 $0x200, v10;
	v8 =	vld.idx.msk [tilespmem:v8+s16+$0x0], $0xffff;
	[tilespmem:s0+$0xFFFFFFA0] =	vst v15  }
0xfb: {  	v15 =	vor.u32 $0x200, v11;
	v19 =	vld.idx.msk [tilespmem:v19+s16+$0x0], $0xffff;
	[tilespmem:s0+$0xF0] =	vst v16  }
0xfc: {  	[tilespmem:s0+$0xFFFFFFB0] =	vst v17;
	v16 =	vor.u32 $0x200, v12;
	v6 =	vld.idx.msk [tilespmem:v6+s16+$0x0], $0xffff  }
0xfd: {  	v17 =	vor.u32 $0x280, v0;
	v18 =	vld.idx.msk [tilespmem:v18+s16+$0x0], $0xffff;
	[tilespmem:s0+$0xFFFFFFC0] =	vst v14  }
0xfe: {  	v4 =	vor.u32 $0x380, v4;
	v13 =	vld.idx.msk [tilespmem:v13+s16+$0x0], $0xffff;
	[tilespmem:s0+$0xFFFFFFD0] =	vst v5  }
0xff: {  	v5 =	vor.u32 $0x280, v1;
	v9 =	vld.idx.msk [tilespmem:v9+s16+$0x0], $0xffff;
	[tilespmem:s0+$0xFFFFFFE0] =	vst v7  }
0x100: {  	v7 =	vor.u32 $0x280, v2;
	[tilespmem:s0+$0x0] =	vst v8;
	v8 =	vld.idx.msk [tilespmem:v15+s16+$0x0], $0xffff  }
0x101: {  	v14 =	vor.u32 $0x280, v3;
	[tilespmem:s0+$0x10] =	vst v19;
	v15 =	vld.idx.msk [tilespmem:v16+s16+$0x0], $0xffff  }
0x102: {  	v16 =	vor.u32 $0x280, v10;
	v17 =	vld.idx.msk [tilespmem:v17+s16+$0x0], $0xffff;
	[tilespmem:s0+$0x170] =	vst v6  }
0x103: {  	v6 =	vor.u32 $0x280, v11;
	[tilespmem:s0+$0x20] =	vst v18;
	v4 =	vld.idx.msk [tilespmem:v4+s16+$0x0], $0xffff  }
0x104: {  	v18 =	vor.u32 $0x280, v12;
	v5 =	vld.idx.msk [tilespmem:v5+s16+$0x0], $0xffff;
	[tilespmem:s0+$0x30] =	vst v13  }
0x105: {  	v13 =	vor.u32 $0x300, v0;
	v7 =	vld.idx.msk [tilespmem:v7+s16+$0x0], $0xffff;
	[tilespmem:s0+$0x40] =	vst v9  }
0x106: {  	v9 =	vor.u32 $0x300, v1;
	v19 =	vld.idx.msk [tilespmem:v14+s16+$0x0], $0xffff;
	[tilespmem:s0+$0x50] =	vst v8  }
0x107: {  	v20 =	vor.u32 $0x300, v2;
	v21 =	vld.idx.msk [tilespmem:v16+s16+$0x0], $0xffff;
	[tilespmem:s0+$0x60] =	vst v15  }
0x108: {  	v22 =	vor.u32 $0x300, v3;
	[tilespmem:s0+$0x80] =	vst v17;
	v17 =	vld.idx.msk [tilespmem:v6+s16+$0x0], $0xffff  }
0x109: {  	v23 =	vor.u32 $0x300, v10;
	v15 =	vld.idx.msk [tilespmem:v18+s16+$0x0], $0xffff;
	[tilespmem:s0+$0x1F0] =	vst v4  }
0x10a: {  	v14 =	vld.idx.msk [tilespmem:v13+s16+$0x0], $0xffff;
	[tilespmem:s0+$0x90] =	vst v5  }
0x10b: {  	v13 =	vld.idx.msk [tilespmem:v9+s16+$0x0], $0xffff;
	[tilespmem:s0+$0xA0] =	vst v7  }
0x10c: {  	v8 =	vor.u32 $0x300, v11;
	v6 =	vor.u32 $0x380, v1;
	v1 =	vor.u32 $0x380, v11;
	[tilespmem:s0+$0xB0] =	vst v19;
	v16 =	vld.idx.msk [tilespmem:v20+s16+$0x0], $0xffff  }
0x10d: {  	v5 =	vor.u32 $0x380, v2;
	v4 =	vor.u32 $0x380, v3;
	v2 =	vor.u32 $0x380, v10;
	v3 =	vld.idx.msk [tilespmem:v22+s16+$0x0], $0xffff;
	[tilespmem:s0+$0xC0] =	vst v21  }
0x10e: {  	s3 =	simm.s32 $0x10A00;
	s8 =	simm.s32 $0x0;
	s13 =	simm.s32 $0xC0;
	v7 =	vor.u32 $0x380, v0;
	v9 =	vor.u32 $0x300, v12;
	v0 =	vor.u32 $0x380, v12;
	v10 =	vld.idx.msk [tilespmem:v23+s16+$0x0], $0xffff;
	[tilespmem:s0+$0xD0] =	vst v17  }
.LBB2_5:
0x10f: {  	v11 =	vld [tilespmem:s13+$0x30];
	s8 =	sadd.s32 $0x8, s8;
	[tilespmem:s0+$0xE0] =	vst v15  }
0x110: {  	v12 =	vld [tilespmem:s13+$0xFFFFFFD0];
	p1 =	slt.u32 s8, $0x78;
	[tilespmem:s0+$0x100] =	vst v14  }
0x111: {  	v14 =	vld [tilespmem:s13+$0xFFFFFFE0];
	[tilespmem:s0+$0x110] =	vst v13  }
0x112: {  	v13 =	vld [tilespmem:s13+$0xFFFFFFF0];
	[tilespmem:s0+$0x120] =	vst v16  }
0x113: {  	v15 =	vld [tilespmem:s13+$0x0];
	[tilespmem:s0+$0x130] =	vst v3  }
0x114: {  	v16 =	vld [tilespmem:s13+$0x10];
	v3 =	vshll.u32 v11, $0x3;
	[tilespmem:s0+$0x140] =	vst v10  }
0x115: {  	v11 =	vand.u32 $0x7F, v11;
	v10 =	vshll.u32 v12, $0x3;
	v17 =	vld [tilespmem:s13+$0x20];
	v3 =	vand.u32 $0xFFFFFC00, v3  }
0x116: {  	v18 =	vld [tilespmem:s13+$0xFFFFFFC0];
	v10 =	vand.u32 $0xFFFFFC00, v10;
	v19 =	vshll.u32 v14, $0x3;
	v3 =	vor.u32 v11, v3  }
0x117: {  	v11 =	vand.u32 $0x7F, v12;
	v12 =	vand.u32 $0xFFFFFC00, v19;
	v19 =	vshll.u32 v13, $0x3;
	v8 =	vld.idx.msk [tilespmem:v8+s16+$0x0], $0xffff  }
0x118: {  	v14 =	vand.u32 $0x7F, v14;
	v19 =	vand.u32 $0xFFFFFC00, v19;
	v20 =	vshll.u32 v15, $0x3;
	v9 =	vld.idx.msk [tilespmem:v9+s16+$0x0], $0xffff  }
0x119: {  	v13 =	vand.u32 $0x7F, v13;
	v20 =	vand.u32 $0xFFFFFC00, v20;
	v21 =	vshll.u32 v16, $0x3;
	v7 =	vld.idx.msk [tilespmem:v7+s16+$0x0], $0xffff  }
0x11a: {  	v15 =	vand.u32 $0x7F, v15;
	v21 =	vand.u32 $0xFFFFFC00, v21;
	v22 =	vshll.u32 v17, $0x3;
	v6 =	vld.idx.msk [tilespmem:v6+s16+$0x0], $0xffff  }
0x11b: {  	v23 =	vand.u32 $0x7F, v18;
	v18 =	vshll.u32 v18, $0x3;
	v22 =	vand.u32 $0xFFFFFC00, v22;
	v24 =	vld.idx.msk [tilespmem:v3+s16+$0x0], $0xffff  }
0x11c: {  	v16 =	vand.u32 $0x7F, v16;
	v17 =	vand.u32 $0x7F, v17;
	v18 =	vand.u32 $0xFFFFFC00, v18;
	v5 =	vld.idx.msk [tilespmem:v5+s16+$0x0], $0xffff  }
0x11d: {  	v25 =	vor.u32 v11, v10;
	v10 =	vor.u32 $0x80, v3;
	v23 =	vor.u32 v23, v18;
	v4 =	vld.idx.msk [tilespmem:v4+s16+$0x0], $0xffff;
	[tilespmem:s0+$0x150] =	vst v8  }
0x11e: {  	v26 =	vor.u32 v14, v12;
	v27 =	vor.u32 v13, v19;
	v28 =	vor.u32 v15, v20;
	[tilespmem:s0+$0x160] =	vst v9  }
0x11f: {  	v21 =	vor.u32 v16, v21;
	v22 =	vor.u32 v17, v22;
	v8 =	vor.u32 $0x80, v23;
	[tilespmem:s0+$0x180] =	vst v7;
	v2 =	vld.idx.msk [tilespmem:v2+s16+$0x0], $0xffff  }
0x120: {  	v29 =	vor.u32 $0x80, v27;
	v9 =	vor.u32 $0x80, v26;
	v7 =	vor.u32 $0x80, v25;
	s0 =	sadd.s32 $0x400, s0;
	[tilespmem:s3+$0x190] =	vst v6;
	v1 =	vld.idx.msk [tilespmem:v1+s16+$0x0], $0xffff  }
0x121: {  	v30 =	vor.u32 $0x80, v28;
	v31 =	vor.u32 $0x80, v21;
	v32 =	vor.u32 $0x80, v22;
	[tilespmem:s0+$0xFFFFFE70] =	vst v24;
	v0 =	vld.idx.msk [tilespmem:v0+s16+$0x0], $0xffff  }
0x122: {  	v33 =	vor.u32 $0x100, v25;
	v34 =	vor.u32 $0x100, v26;
	v24 =	vor.u32 $0x100, v23;
	v6 =	vld.idx.msk [tilespmem:v10+s16+$0x0], $0xffff;
	[tilespmem:s3+$0x1A0] =	vst v5  }
0x123: {  	v35 =	vor.u32 $0x100, v27;
	v36 =	vor.u32 $0x100, v28;
	v37 =	vor.u32 $0x100, v21;
	v5 =	vld.idx.msk [tilespmem:v23+s16+$0x0], $0xffff;
	[tilespmem:s3+$0x1B0] =	vst v4  }
0x124: {  	v39 =	vor.u32 $0x100, v22;
	v38 =	vor.u32 $0x180, v23;
	v10 =	vor.u32 $0x100, v3;
	v4 =	vld.idx.msk [tilespmem:v25+s16+$0x0], $0xffff  }
0x125: {  	v40 =	vor.u32 $0x180, v25;
	v41 =	vor.u32 $0x180, v26;
	v42 =	vor.u32 $0x180, v27;
	v11 =	vld.idx.msk [tilespmem:v26+s16+$0x0], $0xffff;
	[tilespmem:s3+$0x1C0] =	vst v2  }
0x126: {  	v43 =	vor.u32 $0x180, v28;
	v44 =	vor.u32 $0x180, v21;
	v45 =	vor.u32 $0x180, v22;
	v2 =	vld.idx.msk [tilespmem:v27+s16+$0x0], $0xffff;
	[tilespmem:s3+$0x1D0] =	vst v1  }
0x127: {  	v47 =	vor.u32 $0x200, v25;
	v48 =	vor.u32 $0x200, v26;
	v46 =	vor.u32 $0x200, v23;
	v1 =	vld.idx.msk [tilespmem:v28+s16+$0x0], $0xffff;
	[tilespmem:s3+$0x1E0] =	vst v0;
	s3 =	smov.u32 s0  }
0x128: {  	v49 =	vor.u32 $0x200, v27;
	v50 =	vor.u32 $0x200, v28;
	v51 =	vor.u32 $0x200, v21;
	v0 =	vld.idx.msk [tilespmem:v21+s16+$0x0], $0xffff;
	[tilespmem:s0+$0xFFFFFEF0] =	vst v6  }
0x129: {  	v18 =	vor.u32 $0x280, v25;
	v53 =	vor.u32 $0x200, v22;
	v52 =	vor.u32 $0x280, v23;
	[tilespmem:s0+$0xFFFFFE00] =	vst v5;
	v54 =	vld.idx.msk [tilespmem:v10+s16+$0x0], $0xffff  }
0x12a: {  	v20 =	vor.u32 $0x280, v26;
	v19 =	vor.u32 $0x280, v27;
	v15 =	vor.u32 $0x280, v28;
	[tilespmem:s0+$0xFFFFFE10] =	vst v4;
	v55 =	vld.idx.msk [tilespmem:v22+s16+$0x0], $0xffff  }
0x12b: {  	v57 =	vor.u32 $0x180, v3;
	v17 =	vor.u32 $0x280, v21;
	v16 =	vor.u32 $0x280, v22;
	v56 =	vld.idx.msk [tilespmem:v8+s16+$0x0], $0xffff;
	[tilespmem:s0+$0xFFFFFE20] =	vst v11  }
0x12c: {  	v13 =	vor.u32 $0x300, v25;
	v14 =	vor.u32 $0x300, v23;
	v10 =	vor.u32 $0x300, v26;
	v58 =	vld.idx.msk [tilespmem:v7+s16+$0x0], $0xffff;
	[tilespmem:s0+$0xFFFFFE30] =	vst v2  }
0x12d: {  	v12 =	vor.u32 $0x300, v27;
	v11 =	vor.u32 $0x300, v28;
	v8 =	vor.u32 $0x300, v21;
	v59 =	vld.idx.msk [tilespmem:v9+s16+$0x0], $0xffff;
	[tilespmem:s0+$0xFFFFFE40] =	vst v1  }
0x12e: {  	v6 =	vor.u32 $0x380, v25;
	v7 =	vor.u32 $0x380, v23;
	v9 =	vor.u32 $0x300, v22;
	v23 =	vld.idx.msk [tilespmem:v29+s16+$0x0], $0xffff;
	[tilespmem:s0+$0xFFFFFE50] =	vst v0  }
0x12f: {  	v5 =	vor.u32 $0x380, v26;
	v4 =	vor.u32 $0x380, v27;
	v2 =	vor.u32 $0x380, v28;
	v25 =	vld.idx.msk [tilespmem:v30+s16+$0x0], $0xffff;
	[tilespmem:s0+$0xFFFFFF70] =	vst v54  }
0x130: {  	v1 =	vor.u32 $0x380, v21;
	v0 =	vor.u32 $0x380, v22;
	[tilespmem:s0+$0xFFFFFE60] =	vst v55;
	v21 =	vld.idx.msk [tilespmem:v57+s16+$0x0], $0xffff  }
0x131: {  	[tilespmem:s0+$0xFFFFFE80] =	vst v56;
	v22 =	vld.idx.msk [tilespmem:v31+s16+$0x0], $0xffff  }
0x132: {  	v27 =	vor.u32 $0x200, v3;
	[tilespmem:s0+$0xFFFFFE90] =	vst v58;
	v26 =	vld.idx.msk [tilespmem:v32+s16+$0x0], $0xffff  }
0x133: {  	v24 =	vld.idx.msk [tilespmem:v24+s16+$0x0], $0xffff;
	[tilespmem:s0+$0xFFFFFEA0] =	vst v59  }
0x134: {  	v28 =	vld.idx.msk [tilespmem:v33+s16+$0x0], $0xffff;
	[tilespmem:s0+$0xFFFFFEB0] =	vst v23  }
0x135: {  	v23 =	vld.idx.msk [tilespmem:v34+s16+$0x0], $0xffff;
	[tilespmem:s0+$0xFFFFFEC0] =	vst v25  }
0x136: {  	v25 =	vld.idx.msk [tilespmem:v35+s16+$0x0], $0xffff;
	[tilespmem:s0+$0xFFFFFFF0] =	vst v21  }
0x137: {  	[tilespmem:s0+$0xFFFFFED0] =	vst v22;
	v21 =	vld.idx.msk [tilespmem:v27+s16+$0x0], $0xffff  }
0x138: {  	v22 =	vld.idx.msk [tilespmem:v36+s16+$0x0], $0xffff;
	[tilespmem:s0+$0xFFFFFEE0] =	vst v26  }
0x139: {  	v26 =	vor.u32 $0x280, v3;
	[tilespmem:s0+$0xFFFFFF00] =	vst v24;
	v24 =	vld.idx.msk [tilespmem:v37+s16+$0x0], $0xffff  }
0x13a: {  	[tilespmem:s0+$0xFFFFFF10] =	vst v28;
	v27 =	vld.idx.msk [tilespmem:v39+s16+$0x0], $0xffff  }
0x13b: {  	v28 =	vld.idx.msk [tilespmem:v38+s16+$0x0], $0xffff;
	[tilespmem:s0+$0xFFFFFF20] =	vst v23  }
0x13c: {  	v23 =	vld.idx.msk [tilespmem:v40+s16+$0x0], $0xffff;
	[tilespmem:s0+$0xFFFFFF30] =	vst v25  }
0x13d: {  	v25 =	vld.idx.msk [tilespmem:v41+s16+$0x0], $0xffff;
	[tilespmem:s0+$0x70] =	vst v21  }
0x13e: {  	[tilespmem:s0+$0xFFFFFF40] =	vst v22;
	v21 =	vld.idx.msk [tilespmem:v26+s16+$0x0], $0xffff  }
0x13f: {  	v22 =	vld.idx.msk [tilespmem:v42+s16+$0x0], $0xffff;
	[tilespmem:s0+$0xFFFFFF50] =	vst v24  }
0x140: {  	v26 =	vor.u32 $0x300, v3;
	v24 =	vld.idx.msk [tilespmem:v43+s16+$0x0], $0xffff;
	[tilespmem:s0+$0xFFFFFF60] =	vst v27  }
0x141: {  	[tilespmem:s0+$0xFFFFFF80] =	vst v28;
	v27 =	vld.idx.msk [tilespmem:v44+s16+$0x0], $0xffff  }
0x142: {  	[tilespmem:s0+$0xFFFFFF90] =	vst v23;
	v23 =	vld.idx.msk [tilespmem:v45+s16+$0x0], $0xffff  }
0x143: {  	v28 =	vld.idx.msk [tilespmem:v46+s16+$0x0], $0xffff;
	[tilespmem:s0+$0xFFFFFFA0] =	vst v25  }
0x144: {  	v25 =	vld.idx.msk [tilespmem:v47+s16+$0x0], $0xffff;
	[tilespmem:s0+$0xF0] =	vst v21  }
0x145: {  	[tilespmem:s0+$0xFFFFFFB0] =	vst v22;
	v21 =	vld.idx.msk [tilespmem:v26+s16+$0x0], $0xffff  }
0x146: {  	v22 =	vld.idx.msk [tilespmem:v48+s16+$0x0], $0xffff;
	[tilespmem:s0+$0xFFFFFFC0] =	vst v24  }
0x147: {  	v3 =	vor.u32 $0x380, v3;
	v24 =	vld.idx.msk [tilespmem:v49+s16+$0x0], $0xffff;
	[tilespmem:s0+$0xFFFFFFD0] =	vst v27  }
0x148: {  	v26 =	vld.idx.msk [tilespmem:v50+s16+$0x0], $0xffff;
	[tilespmem:s0+$0xFFFFFFE0] =	vst v23  }
0x149: {  	[tilespmem:s0+$0x0] =	vst v28;
	v23 =	vld.idx.msk [tilespmem:v51+s16+$0x0], $0xffff  }
0x14a: {  	[tilespmem:s0+$0x10] =	vst v25;
	v25 =	vld.idx.msk [tilespmem:v53+s16+$0x0], $0xffff  }
0x14b: {  	v27 =	vld.idx.msk [tilespmem:v52+s16+$0x0], $0xffff;
	[tilespmem:s0+$0x170] =	vst v21  }
0x14c: {  	[tilespmem:s0+$0x20] =	vst v22;
	v3 =	vld.idx.msk [tilespmem:v3+s16+$0x0], $0xffff  }
0x14d: {  	v18 =	vld.idx.msk [tilespmem:v18+s16+$0x0], $0xffff;
	[tilespmem:s0+$0x30] =	vst v24  }
0x14e: {  	v20 =	vld.idx.msk [tilespmem:v20+s16+$0x0], $0xffff;
	[tilespmem:s0+$0x40] =	vst v26  }
0x14f: {  	v19 =	vld.idx.msk [tilespmem:v19+s16+$0x0], $0xffff;
	[tilespmem:s0+$0x50] =	vst v23  }
0x150: {  	v21 =	vld.idx.msk [tilespmem:v15+s16+$0x0], $0xffff;
	[tilespmem:s0+$0x60] =	vst v25  }
0x151: {  	[tilespmem:s0+$0x80] =	vst v27;
	v17 =	vld.idx.msk [tilespmem:v17+s16+$0x0], $0xffff  }
0x152: {  	v15 =	vld.idx.msk [tilespmem:v16+s16+$0x0], $0xffff;
	[tilespmem:s0+$0x1F0] =	vst v3  }
.Ltmp1:
0x153: {  	v14 =	vld.idx.msk [tilespmem:v14+s16+$0x0], $0xffff;
	[tilespmem:s0+$0x90] =	vst v18;
	(pc) =	sbr.rel @p1 .LBB2_5-.Ltmp1, $4  }
0x154: {  	v13 =	vld.idx.msk [tilespmem:v13+s16+$0x0], $0xffff;
	[tilespmem:s0+$0xA0] =	vst v20  }
0x155: {  	v16 =	vld.idx.msk [tilespmem:v10+s16+$0x0], $0xffff;
	[tilespmem:s0+$0xB0] =	vst v19  }
0x156: {  	v3 =	vld.idx.msk [tilespmem:v12+s16+$0x0], $0xffff;
	[tilespmem:s0+$0xC0] =	vst v21  }
0x157: {  	s13 =	sadd.s32 $0x80, s13;
	v10 =	vld.idx.msk [tilespmem:v11+s16+$0x0], $0xffff;
	[tilespmem:s0+$0xD0] =	vst v17  }
0x158: {  	_ =	sdelay $0x2  }
0x159: {  	[tilespmem:s0+$0xE0] =	vst v15  }
0x15a: {  	[tilespmem:s0+$0x100] =	vst v14;
	v8 =	vld.idx.msk [tilespmem:v8+s16+$0x0], $0xffff  }
0x15b: {  	[tilespmem:s0+$0x110] =	vst v13;
	v9 =	vld.idx.msk [tilespmem:v9+s16+$0x0], $0xffff  }
0x15c: {  	v7 =	vld.idx.msk [tilespmem:v7+s16+$0x0], $0xffff;
	[tilespmem:s0+$0x120] =	vst v16  }
0x15d: {  	v63 =	vld.idx.msk [tilespmem:v6+s16+$0x0], $0xffff;
	[tilespmem:s0+$0x130] =	vst v3  }
0x15e: {  	v5 =	vld.idx.msk [tilespmem:v5+s16+$0x0], $0xffff;
	[tilespmem:s0+$0x140] =	vst v10  }
0x15f: {  	v4 =	vld.idx.msk [tilespmem:v4+s16+$0x0], $0xffff;
	[tilespmem:s0+$0x150] =	vst v8  }
0x160: {  	v2 =	vld.idx.msk [tilespmem:v2+s16+$0x0], $0xffff;
	[tilespmem:s0+$0x160] =	vst v9  }
0x161: {  	[tilespmem:s0+$0x180] =	vst v7;
	v1 =	vld.idx.msk [tilespmem:v1+s16+$0x0], $0xffff  }
0x162: {  	[tilespmem:s3+$0x190] =	vst v63;
	v0 =	vld.idx.msk [tilespmem:v0+s16+$0x0], $0xffff  }
0x163: {  	p1 =	sne.s32 s30, $0x14;
	[tilespmem:s3+$0x1A0] =	vst v5  }
.Ltmp2:
0x164: {  	[tilespmem:s3+$0x1B0] =	vst v4;
	(pc) =	sbr.rel @p1 .LBB2_8-.Ltmp2, $4  }
0x165: {  	s14 =	sadd.s32 s11, s2;
	[tilespmem:s3+$0x1C0] =	vst v2  }
0x166: {  	s0 =	sshll.u32 s14, $0xB;
	[tilespmem:s3+$0x1D0] =	vst v1  }
0x167: {  	s0 =	sadd.s32 s4, s0;
	[tilespmem:s3+$0x1E0] =	vst v0  }
0x168: {  	[hbm4b:s0+s5] =	stream.linear.scatter [tilespmem:s22], [sflag:$0x5], $0x4000, $0x38;
	[tilespmem:$0x18800] =	vst v63  }
.Ltmp3:
0x169: {  	(pc) =	sbr.rel .LBB2_9-.Ltmp3, $4  }
0x16a: {  	_ = 	snop  }
0x16b: {  	_ =	swait.ge [sflag:s23], $0x4000  }
0x16c: {  	[sflag:s23] =	ssyncset.done $0x0  }
0x16d: {  	[sflag:s23] =	ssyncadd.s32 $0xFFFFC000  }
.LBB2_8:
0x16e: {  	s0 =	sadd.s32 s12, s2  }
0x16f: {  	s0 =	sshll.u32 s0, $0xB  }
.Ltmp4:
0x170: {  	s0 =	sadd.s32 s1, s0;
	(pc) =	sbr.rel @p0 .LBB2_10-.Ltmp4, $4  }
0x171: {  	[tilespmem:s16], [sflag:$0x2] =	stream.linear.gather [hbm4b:s0+s5], $0x4000, $0x38;
	[tilespmem:$0x18800] =	vst v63  }
0x172: {  	_ =	swait.ge [sflag:s23], $0x4000  }
0x173: {  	[sflag:s23] =	ssyncset.done $0x0  }
0x174: {  	[sflag:s23] =	ssyncadd.s32 $0xFFFFC000  }
.LBB2_9:
0x175: {  	_ =	swait.ge [sflag:s24], $0x4000  }
0x176: {  	[sflag:s24] =	ssyncset.done $0x0  }
0x177: {  	[sflag:s24] =	ssyncadd.s32 $0xFFFFC000  }
.LBB2_10:
0x178: {  	s0 =	simm.s32 $0x40  }
0x179: {  	v0 =	vld [tilespmem:s0+$0x30];
	_ =	sdelay $0x3  }
0x17a: {  	v1 =	vld [tilespmem:s0+$0xFFFFFFD0]  }
0x17b: {  	v2 =	vshll.u32 v0, $0x3  }
0x17c: {  	v3 =	vld [tilespmem:s0+$0xFFFFFFE0];
	v0 =	vand.u32 $0x7F, v0;
	v2 =	vand.u32 $0xFFFFFC00, v2  }
0x17d: {  	v5 =	vld [tilespmem:s0+$0xFFFFFFC0];
	v4 =	vor.u32 v0, v2;
	_ =	sdelay $0x1  }
0x17e: {  	v2 =	vld [tilespmem:s0+$0xFFFFFFF0];
	v0 =	vshll.u32 v1, $0x3  }
0x17f: {  	v7 =	vld [tilespmem:s0+$0x10];
	v1 =	vand.u32 $0x7F, v1;
	v8 =	vand.u32 $0xFFFFFC00, v0  }
0x180: {  	v6 =	vld [tilespmem:s0+$0x0];
	v0 =	vshll.u32 v3, $0x3;
	v1 =	vor.u32 v1, v8  }
0x181: {  	v11 =	vor.u32 $0x80, v4;
	v9 =	vand.u32 $0xFFFFFC00, v0;
	v0 =	vshll.u32 v5, $0x3;
	v10 =	vld.idx.msk [tilespmem:v4+s18+$0x0], $0xffff  }
0x182: {  	v12 =	vld [tilespmem:s0+$0x20];
	v3 =	vand.u32 $0x7F, v3;
	v5 =	vand.u32 $0x7F, v5;
	v0 =	vand.u32 $0xFFFFFC00, v0  }
0x183: {  	v0 =	vor.u32 v5, v0;
	v13 =	vshll.u32 v2, $0x3;
	v8 =	vand.u32 $0x7F, v2  }
0x184: {  	v2 =	vor.u32 v3, v9;
	v9 =	vshll.u32 v7, $0x3;
	v5 =	vand.u32 $0xFFFFFC00, v13  }
0x185: {  	s0 =	simm.s32 $0x14A00;
	v13 =	vshll.u32 v6, $0x3;
	v3 =	vor.u32 v8, v5;
	v5 =	vand.u32 $0xFFFFFC00, v9;
	v9 =	vld.idx.msk [tilespmem:v1+s18+$0x0], $0xffff  }
0x186: {  	v15 =	vor.u32 $0x80, v1;
	v6 =	vand.u32 $0x7F, v6;
	v13 =	vand.u32 $0xFFFFFC00, v13;
	[tilespmem:s0+$0xFFFFFE70] =	vst v10  }
0x187: {  	v7 =	vand.u32 $0x7F, v7;
	v8 =	vshll.u32 v12, $0x3;
	v10 =	vor.u32 v6, v13;
	v6 =	vld.idx.msk [tilespmem:v11+s18+$0x0], $0xffff  }
0x188: {  	v11 =	vor.u32 v7, v5;
	v5 =	vld.idx.msk [tilespmem:v0+s18+$0x0], $0xffff;
	v7 =	vand.u32 $0xFFFFFC00, v8;
	v8 =	vand.u32 $0x7F, v12  }
0x189: {  	v13 =	vor.u32 $0x100, v4;
	v12 =	vor.u32 v8, v7;
	v7 =	vld.idx.msk [tilespmem:v2+s18+$0x0], $0xffff  }
0x18a: {  	v8 =	vor.u32 $0x80, v0;
	v14 =	vld.idx.msk [tilespmem:v3+s18+$0x0], $0xffff;
	[tilespmem:s0+$0xFFFFFE10] =	vst v9  }
0x18b: {  	v15 =	vld.idx.msk [tilespmem:v15+s18+$0x0], $0xffff  }
0x18c: {  	v17 =	vor.u32 $0x80, v2;
	v16 =	vld.idx.msk [tilespmem:v10+s18+$0x0], $0xffff  }
0x18d: {  	v18 =	vld.idx.msk [tilespmem:v11+s18+$0x0], $0xffff;
	[tilespmem:s0+$0xFFFFFEF0] =	vst v6;
	v6 =	vor.u32 $0x80, v3  }
0x18e: {  	[tilespmem:s0+$0xFFFFFE00] =	vst v5;
	v5 =	vld.idx.msk [tilespmem:v13+s18+$0x0], $0xffff;
	v13 =	vor.u32 $0x80, v10  }
0x18f: {  	v19 =	vor.u32 $0x80, v11;
	v8 =	vld.idx.msk [tilespmem:v8+s18+$0x0], $0xffff;
	[tilespmem:s0+$0xFFFFFE20] =	vst v7  }
0x190: {  	v9 =	vld.idx.msk [tilespmem:v12+s18+$0x0], $0xffff;
	v7 =	vor.u32 $0x180, v4;
	[tilespmem:s0+$0xFFFFFE30] =	vst v14  }
0x191: {  	v14 =	vor.u32 $0x80, v12;
	v17 =	vld.idx.msk [tilespmem:v17+s18+$0x0], $0xffff;
	[tilespmem:s0+$0xFFFFFE40] =	vst v16  }
0x192: {  	v16 =	vor.u32 $0x100, v0;
	v6 =	vld.idx.msk [tilespmem:v6+s18+$0x0], $0xffff;
	[tilespmem:s0+$0xFFFFFE50] =	vst v18  }
0x193: {  	v18 =	vor.u32 $0x100, v1;
	v13 =	vld.idx.msk [tilespmem:v13+s18+$0x0], $0xffff;
	[tilespmem:s0+$0xFFFFFF70] =	vst v5  }
0x194: {  	v5 =	vor.u32 $0x100, v2;
	[tilespmem:s0+$0xFFFFFE80] =	vst v8;
	v8 =	vld.idx.msk [tilespmem:v19+s18+$0x0], $0xffff  }
0x195: {  	[tilespmem:s0+$0xFFFFFE60] =	vst v9;
	v9 =	vor.u32 $0x100, v3;
	v7 =	vld.idx.msk [tilespmem:v7+s18+$0x0], $0xffff  }
0x196: {  	[tilespmem:s0+$0xFFFFFE90] =	vst v15;
	v19 =	vor.u32 $0x100, v10;
	v14 =	vld.idx.msk [tilespmem:v14+s18+$0x0], $0xffff  }
0x197: {  	[tilespmem:s0+$0xFFFFFEA0] =	vst v17;
	v17 =	vor.u32 $0x100, v11;
	v16 =	vld.idx.msk [tilespmem:v16+s18+$0x0], $0xffff  }
0x198: {  	v15 =	vor.u32 $0x200, v4;
	v18 =	vld.idx.msk [tilespmem:v18+s18+$0x0], $0xffff;
	[tilespmem:s0+$0xFFFFFEB0] =	vst v6  }
0x199: {  	v6 =	vor.u32 $0x100, v12;
	v5 =	vld.idx.msk [tilespmem:v5+s18+$0x0], $0xffff;
	[tilespmem:s0+$0xFFFFFEC0] =	vst v13  }
0x19a: {  	v13 =	vor.u32 $0x180, v0;
	v9 =	vld.idx.msk [tilespmem:v9+s18+$0x0], $0xffff;
	[tilespmem:s0+$0xFFFFFED0] =	vst v8  }
0x19b: {  	[tilespmem:s0+$0xFFFFFFF0] =	vst v7;
	v7 =	vor.u32 $0x180, v1;
	v19 =	vld.idx.msk [tilespmem:v19+s18+$0x0], $0xffff  }
0x19c: {  	[tilespmem:s0+$0xFFFFFEE0] =	vst v14;
	v14 =	vld.idx.msk [tilespmem:v17+s18+$0x0], $0xffff;
	v17 =	vor.u32 $0x180, v3  }
0x19d: {  	v8 =	vld.idx.msk [tilespmem:v15+s18+$0x0], $0xffff;
	v15 =	vor.u32 $0x180, v2;
	[tilespmem:s0+$0xFFFFFF00] =	vst v16  }
0x19e: {  	v16 =	vor.u32 $0x280, v4;
	[tilespmem:s0+$0xFFFFFF10] =	vst v18;
	v6 =	vld.idx.msk [tilespmem:v6+s18+$0x0], $0xffff  }
0x19f: {  	v18 =	vor.u32 $0x180, v10;
	v13 =	vld.idx.msk [tilespmem:v13+s18+$0x0], $0xffff;
	[tilespmem:s0+$0xFFFFFF20] =	vst v5  }
0x1a0: {  	v5 =	vor.u32 $0x180, v11;
	[tilespmem:s0+$0xFFFFFF30] =	vst v9;
	v7 =	vld.idx.msk [tilespmem:v7+s18+$0x0], $0xffff  }
0x1a1: {  	v9 =	vor.u32 $0x180, v12;
	[tilespmem:s0+$0xFFFFFF40] =	vst v19;
	v17 =	vld.idx.msk [tilespmem:v17+s18+$0x0], $0xffff  }
0x1a2: {  	v15 =	vld.idx.msk [tilespmem:v15+s18+$0x0], $0xffff;
	[tilespmem:s0+$0x70] =	vst v8;
	v8 =	vor.u32 $0x200, v0  }
0x1a3: {  	v19 =	vor.u32 $0x200, v1;
	[tilespmem:s0+$0xFFFFFF50] =	vst v14;
	v16 =	vld.idx.msk [tilespmem:v16+s18+$0x0], $0xffff  }
0x1a4: {  	v14 =	vld.idx.msk [tilespmem:v18+s18+$0x0], $0xffff;
	[tilespmem:s0+$0xFFFFFF60] =	vst v6;
	v6 =	vor.u32 $0x300, v4  }
0x1a5: {  	v18 =	vor.u32 $0x200, v2;
	[tilespmem:s0+$0xFFFFFF80] =	vst v13;
	v5 =	vld.idx.msk [tilespmem:v5+s18+$0x0], $0xffff  }
0x1a6: {  	v13 =	vor.u32 $0x200, v3;
	[tilespmem:s0+$0xFFFFFF90] =	vst v7;
	v7 =	vld.idx.msk [tilespmem:v9+s18+$0x0], $0xffff  }
0x1a7: {  	v9 =	vor.u32 $0x200, v10;
	v8 =	vld.idx.msk [tilespmem:v8+s18+$0x0], $0xffff;
	[tilespmem:s0+$0xFFFFFFA0] =	vst v15  }
0x1a8: {  	v15 =	vor.u32 $0x200, v11;
	v19 =	vld.idx.msk [tilespmem:v19+s18+$0x0], $0xffff;
	[tilespmem:s0+$0xF0] =	vst v16  }
0x1a9: {  	[tilespmem:s0+$0xFFFFFFB0] =	vst v17;
	v16 =	vor.u32 $0x200, v12;
	v6 =	vld.idx.msk [tilespmem:v6+s18+$0x0], $0xffff  }
0x1aa: {  	v17 =	vor.u32 $0x280, v0;
	v18 =	vld.idx.msk [tilespmem:v18+s18+$0x0], $0xffff;
	[tilespmem:s0+$0xFFFFFFC0] =	vst v14  }
0x1ab: {  	v4 =	vor.u32 $0x380, v4;
	v13 =	vld.idx.msk [tilespmem:v13+s18+$0x0], $0xffff;
	[tilespmem:s0+$0xFFFFFFD0] =	vst v5  }
0x1ac: {  	v5 =	vor.u32 $0x280, v1;
	v9 =	vld.idx.msk [tilespmem:v9+s18+$0x0], $0xffff;
	[tilespmem:s0+$0xFFFFFFE0] =	vst v7  }
0x1ad: {  	v7 =	vor.u32 $0x280, v2;
	[tilespmem:s0+$0x0] =	vst v8;
	v8 =	vld.idx.msk [tilespmem:v15+s18+$0x0], $0xffff  }
0x1ae: {  	v14 =	vor.u32 $0x280, v3;
	[tilespmem:s0+$0x10] =	vst v19;
	v15 =	vld.idx.msk [tilespmem:v16+s18+$0x0], $0xffff  }
0x1af: {  	v16 =	vor.u32 $0x280, v10;
	v17 =	vld.idx.msk [tilespmem:v17+s18+$0x0], $0xffff;
	[tilespmem:s0+$0x170] =	vst v6  }
0x1b0: {  	v6 =	vor.u32 $0x280, v11;
	[tilespmem:s0+$0x20] =	vst v18;
	v4 =	vld.idx.msk [tilespmem:v4+s18+$0x0], $0xffff  }
0x1b1: {  	v18 =	vor.u32 $0x280, v12;
	v5 =	vld.idx.msk [tilespmem:v5+s18+$0x0], $0xffff;
	[tilespmem:s0+$0x30] =	vst v13  }
0x1b2: {  	v13 =	vor.u32 $0x300, v0;
	v7 =	vld.idx.msk [tilespmem:v7+s18+$0x0], $0xffff;
	[tilespmem:s0+$0x40] =	vst v9  }
0x1b3: {  	v9 =	vor.u32 $0x300, v1;
	v19 =	vld.idx.msk [tilespmem:v14+s18+$0x0], $0xffff;
	[tilespmem:s0+$0x50] =	vst v8  }
0x1b4: {  	v20 =	vor.u32 $0x300, v2;
	v21 =	vld.idx.msk [tilespmem:v16+s18+$0x0], $0xffff;
	[tilespmem:s0+$0x60] =	vst v15  }
0x1b5: {  	v22 =	vor.u32 $0x300, v3;
	[tilespmem:s0+$0x80] =	vst v17;
	v17 =	vld.idx.msk [tilespmem:v6+s18+$0x0], $0xffff  }
0x1b6: {  	v23 =	vor.u32 $0x300, v10;
	v15 =	vld.idx.msk [tilespmem:v18+s18+$0x0], $0xffff;
	[tilespmem:s0+$0x1F0] =	vst v4  }
0x1b7: {  	v14 =	vld.idx.msk [tilespmem:v13+s18+$0x0], $0xffff;
	[tilespmem:s0+$0x90] =	vst v5  }
0x1b8: {  	v13 =	vld.idx.msk [tilespmem:v9+s18+$0x0], $0xffff;
	[tilespmem:s0+$0xA0] =	vst v7  }
0x1b9: {  	v8 =	vor.u32 $0x300, v11;
	v6 =	vor.u32 $0x380, v1;
	v1 =	vor.u32 $0x380, v11;
	[tilespmem:s0+$0xB0] =	vst v19;
	v16 =	vld.idx.msk [tilespmem:v20+s18+$0x0], $0xffff  }
0x1ba: {  	v5 =	vor.u32 $0x380, v2;
	v4 =	vor.u32 $0x380, v3;
	v2 =	vor.u32 $0x380, v10;
	v3 =	vld.idx.msk [tilespmem:v22+s18+$0x0], $0xffff;
	[tilespmem:s0+$0xC0] =	vst v21  }
0x1bb: {  	s3 =	simm.s32 $0x0;
	s8 =	simm.s32 $0xC0;
	s2 =	simm.s32 $0x14A00;
	v7 =	vor.u32 $0x380, v0;
	v9 =	vor.u32 $0x300, v12;
	v0 =	vor.u32 $0x380, v12;
	v10 =	vld.idx.msk [tilespmem:v23+s18+$0x0], $0xffff;
	[tilespmem:s0+$0xD0] =	vst v17  }
.LBB2_11:
0x1bc: {  	v11 =	vld [tilespmem:s8+$0x30];
	s3 =	sadd.s32 $0x8, s3;
	[tilespmem:s0+$0xE0] =	vst v15  }
0x1bd: {  	v12 =	vld [tilespmem:s8+$0xFFFFFFD0];
	p0 =	slt.u32 s3, $0x78;
	[tilespmem:s0+$0x100] =	vst v14  }
0x1be: {  	v14 =	vld [tilespmem:s8+$0xFFFFFFE0];
	[tilespmem:s0+$0x110] =	vst v13  }
0x1bf: {  	v13 =	vld [tilespmem:s8+$0xFFFFFFF0];
	[tilespmem:s0+$0x120] =	vst v16  }
0x1c0: {  	v15 =	vld [tilespmem:s8+$0x0];
	[tilespmem:s0+$0x130] =	vst v3  }
0x1c1: {  	v16 =	vld [tilespmem:s8+$0x10];
	v3 =	vshll.u32 v11, $0x3;
	[tilespmem:s0+$0x140] =	vst v10  }
0x1c2: {  	v11 =	vand.u32 $0x7F, v11;
	v10 =	vshll.u32 v12, $0x3;
	v17 =	vld [tilespmem:s8+$0x20];
	v3 =	vand.u32 $0xFFFFFC00, v3  }
0x1c3: {  	v18 =	vld [tilespmem:s8+$0xFFFFFFC0];
	v10 =	vand.u32 $0xFFFFFC00, v10;
	v19 =	vshll.u32 v14, $0x3;
	v3 =	vor.u32 v11, v3  }
0x1c4: {  	v11 =	vand.u32 $0x7F, v12;
	v12 =	vand.u32 $0xFFFFFC00, v19;
	v19 =	vshll.u32 v13, $0x3;
	v8 =	vld.idx.msk [tilespmem:v8+s18+$0x0], $0xffff  }
0x1c5: {  	v14 =	vand.u32 $0x7F, v14;
	v19 =	vand.u32 $0xFFFFFC00, v19;
	v20 =	vshll.u32 v15, $0x3;
	v9 =	vld.idx.msk [tilespmem:v9+s18+$0x0], $0xffff  }
0x1c6: {  	v13 =	vand.u32 $0x7F, v13;
	v20 =	vand.u32 $0xFFFFFC00, v20;
	v21 =	vshll.u32 v16, $0x3;
	v7 =	vld.idx.msk [tilespmem:v7+s18+$0x0], $0xffff  }
0x1c7: {  	v15 =	vand.u32 $0x7F, v15;
	v21 =	vand.u32 $0xFFFFFC00, v21;
	v22 =	vshll.u32 v17, $0x3;
	v6 =	vld.idx.msk [tilespmem:v6+s18+$0x0], $0xffff  }
0x1c8: {  	v23 =	vand.u32 $0x7F, v18;
	v18 =	vshll.u32 v18, $0x3;
	v22 =	vand.u32 $0xFFFFFC00, v22;
	v24 =	vld.idx.msk [tilespmem:v3+s18+$0x0], $0xffff  }
0x1c9: {  	v16 =	vand.u32 $0x7F, v16;
	v17 =	vand.u32 $0x7F, v17;
	v18 =	vand.u32 $0xFFFFFC00, v18;
	v5 =	vld.idx.msk [tilespmem:v5+s18+$0x0], $0xffff  }
0x1ca: {  	v25 =	vor.u32 v11, v10;
	v10 =	vor.u32 $0x80, v3;
	v23 =	vor.u32 v23, v18;
	v4 =	vld.idx.msk [tilespmem:v4+s18+$0x0], $0xffff;
	[tilespmem:s0+$0x150] =	vst v8  }
0x1cb: {  	v26 =	vor.u32 v14, v12;
	v27 =	vor.u32 v13, v19;
	v28 =	vor.u32 v15, v20;
	[tilespmem:s0+$0x160] =	vst v9  }
0x1cc: {  	v21 =	vor.u32 v16, v21;
	v22 =	vor.u32 v17, v22;
	v8 =	vor.u32 $0x80, v23;
	[tilespmem:s0+$0x180] =	vst v7;
	v2 =	vld.idx.msk [tilespmem:v2+s18+$0x0], $0xffff  }
0x1cd: {  	v29 =	vor.u32 $0x80, v27;
	v9 =	vor.u32 $0x80, v26;
	v7 =	vor.u32 $0x80, v25;
	s0 =	sadd.s32 $0x400, s0;
	[tilespmem:s2+$0x190] =	vst v6;
	v1 =	vld.idx.msk [tilespmem:v1+s18+$0x0], $0xffff  }
0x1ce: {  	v30 =	vor.u32 $0x80, v28;
	v31 =	vor.u32 $0x80, v21;
	v32 =	vor.u32 $0x80, v22;
	[tilespmem:s0+$0xFFFFFE70] =	vst v24;
	v0 =	vld.idx.msk [tilespmem:v0+s18+$0x0], $0xffff  }
0x1cf: {  	v33 =	vor.u32 $0x100, v25;
	v34 =	vor.u32 $0x100, v26;
	v24 =	vor.u32 $0x100, v23;
	v6 =	vld.idx.msk [tilespmem:v10+s18+$0x0], $0xffff;
	[tilespmem:s2+$0x1A0] =	vst v5  }
0x1d0: {  	v35 =	vor.u32 $0x100, v27;
	v36 =	vor.u32 $0x100, v28;
	v37 =	vor.u32 $0x100, v21;
	v5 =	vld.idx.msk [tilespmem:v23+s18+$0x0], $0xffff;
	[tilespmem:s2+$0x1B0] =	vst v4  }
0x1d1: {  	v39 =	vor.u32 $0x100, v22;
	v38 =	vor.u32 $0x180, v23;
	v10 =	vor.u32 $0x100, v3;
	v4 =	vld.idx.msk [tilespmem:v25+s18+$0x0], $0xffff  }
0x1d2: {  	v40 =	vor.u32 $0x180, v25;
	v41 =	vor.u32 $0x180, v26;
	v42 =	vor.u32 $0x180, v27;
	v11 =	vld.idx.msk [tilespmem:v26+s18+$0x0], $0xffff;
	[tilespmem:s2+$0x1C0] =	vst v2  }
0x1d3: {  	v43 =	vor.u32 $0x180, v28;
	v44 =	vor.u32 $0x180, v21;
	v45 =	vor.u32 $0x180, v22;
	v2 =	vld.idx.msk [tilespmem:v27+s18+$0x0], $0xffff;
	[tilespmem:s2+$0x1D0] =	vst v1  }
0x1d4: {  	v47 =	vor.u32 $0x200, v25;
	v48 =	vor.u32 $0x200, v26;
	v46 =	vor.u32 $0x200, v23;
	v1 =	vld.idx.msk [tilespmem:v28+s18+$0x0], $0xffff;
	[tilespmem:s2+$0x1E0] =	vst v0;
	s2 =	smov.u32 s0  }
0x1d5: {  	v49 =	vor.u32 $0x200, v27;
	v50 =	vor.u32 $0x200, v28;
	v51 =	vor.u32 $0x200, v21;
	v0 =	vld.idx.msk [tilespmem:v21+s18+$0x0], $0xffff;
	[tilespmem:s0+$0xFFFFFEF0] =	vst v6  }
0x1d6: {  	v18 =	vor.u32 $0x280, v25;
	v53 =	vor.u32 $0x200, v22;
	v52 =	vor.u32 $0x280, v23;
	[tilespmem:s0+$0xFFFFFE00] =	vst v5;
	v54 =	vld.idx.msk [tilespmem:v10+s18+$0x0], $0xffff  }
0x1d7: {  	v20 =	vor.u32 $0x280, v26;
	v19 =	vor.u32 $0x280, v27;
	v15 =	vor.u32 $0x280, v28;
	[tilespmem:s0+$0xFFFFFE10] =	vst v4;
	v55 =	vld.idx.msk [tilespmem:v22+s18+$0x0], $0xffff  }
0x1d8: {  	v57 =	vor.u32 $0x180, v3;
	v17 =	vor.u32 $0x280, v21;
	v16 =	vor.u32 $0x280, v22;
	v56 =	vld.idx.msk [tilespmem:v8+s18+$0x0], $0xffff;
	[tilespmem:s0+$0xFFFFFE20] =	vst v11  }
0x1d9: {  	v13 =	vor.u32 $0x300, v25;
	v14 =	vor.u32 $0x300, v23;
	v10 =	vor.u32 $0x300, v26;
	v58 =	vld.idx.msk [tilespmem:v7+s18+$0x0], $0xffff;
	[tilespmem:s0+$0xFFFFFE30] =	vst v2  }
0x1da: {  	v12 =	vor.u32 $0x300, v27;
	v11 =	vor.u32 $0x300, v28;
	v8 =	vor.u32 $0x300, v21;
	v59 =	vld.idx.msk [tilespmem:v9+s18+$0x0], $0xffff;
	[tilespmem:s0+$0xFFFFFE40] =	vst v1  }
0x1db: {  	v6 =	vor.u32 $0x380, v25;
	v7 =	vor.u32 $0x380, v23;
	v9 =	vor.u32 $0x300, v22;
	v23 =	vld.idx.msk [tilespmem:v29+s18+$0x0], $0xffff;
	[tilespmem:s0+$0xFFFFFE50] =	vst v0  }
0x1dc: {  	v5 =	vor.u32 $0x380, v26;
	v4 =	vor.u32 $0x380, v27;
	v2 =	vor.u32 $0x380, v28;
	v25 =	vld.idx.msk [tilespmem:v30+s18+$0x0], $0xffff;
	[tilespmem:s0+$0xFFFFFF70] =	vst v54  }
0x1dd: {  	v1 =	vor.u32 $0x380, v21;
	v0 =	vor.u32 $0x380, v22;
	[tilespmem:s0+$0xFFFFFE60] =	vst v55;
	v21 =	vld.idx.msk [tilespmem:v57+s18+$0x0], $0xffff  }
0x1de: {  	[tilespmem:s0+$0xFFFFFE80] =	vst v56;
	v22 =	vld.idx.msk [tilespmem:v31+s18+$0x0], $0xffff  }
0x1df: {  	v27 =	vor.u32 $0x200, v3;
	[tilespmem:s0+$0xFFFFFE90] =	vst v58;
	v26 =	vld.idx.msk [tilespmem:v32+s18+$0x0], $0xffff  }
0x1e0: {  	v24 =	vld.idx.msk [tilespmem:v24+s18+$0x0], $0xffff;
	[tilespmem:s0+$0xFFFFFEA0] =	vst v59  }
0x1e1: {  	v28 =	vld.idx.msk [tilespmem:v33+s18+$0x0], $0xffff;
	[tilespmem:s0+$0xFFFFFEB0] =	vst v23  }
0x1e2: {  	v23 =	vld.idx.msk [tilespmem:v34+s18+$0x0], $0xffff;
	[tilespmem:s0+$0xFFFFFEC0] =	vst v25  }
0x1e3: {  	v25 =	vld.idx.msk [tilespmem:v35+s18+$0x0], $0xffff;
	[tilespmem:s0+$0xFFFFFFF0] =	vst v21  }
0x1e4: {  	[tilespmem:s0+$0xFFFFFED0] =	vst v22;
	v21 =	vld.idx.msk [tilespmem:v27+s18+$0x0], $0xffff  }
0x1e5: {  	v22 =	vld.idx.msk [tilespmem:v36+s18+$0x0], $0xffff;
	[tilespmem:s0+$0xFFFFFEE0] =	vst v26  }
0x1e6: {  	v26 =	vor.u32 $0x280, v3;
	[tilespmem:s0+$0xFFFFFF00] =	vst v24;
	v24 =	vld.idx.msk [tilespmem:v37+s18+$0x0], $0xffff  }
0x1e7: {  	[tilespmem:s0+$0xFFFFFF10] =	vst v28;
	v27 =	vld.idx.msk [tilespmem:v39+s18+$0x0], $0xffff  }
0x1e8: {  	v28 =	vld.idx.msk [tilespmem:v38+s18+$0x0], $0xffff;
	[tilespmem:s0+$0xFFFFFF20] =	vst v23  }
0x1e9: {  	v23 =	vld.idx.msk [tilespmem:v40+s18+$0x0], $0xffff;
	[tilespmem:s0+$0xFFFFFF30] =	vst v25  }
0x1ea: {  	v25 =	vld.idx.msk [tilespmem:v41+s18+$0x0], $0xffff;
	[tilespmem:s0+$0x70] =	vst v21  }
0x1eb: {  	[tilespmem:s0+$0xFFFFFF40] =	vst v22;
	v21 =	vld.idx.msk [tilespmem:v26+s18+$0x0], $0xffff  }
0x1ec: {  	v22 =	vld.idx.msk [tilespmem:v42+s18+$0x0], $0xffff;
	[tilespmem:s0+$0xFFFFFF50] =	vst v24  }
0x1ed: {  	v26 =	vor.u32 $0x300, v3;
	v24 =	vld.idx.msk [tilespmem:v43+s18+$0x0], $0xffff;
	[tilespmem:s0+$0xFFFFFF60] =	vst v27  }
0x1ee: {  	[tilespmem:s0+$0xFFFFFF80] =	vst v28;
	v27 =	vld.idx.msk [tilespmem:v44+s18+$0x0], $0xffff  }
0x1ef: {  	[tilespmem:s0+$0xFFFFFF90] =	vst v23;
	v23 =	vld.idx.msk [tilespmem:v45+s18+$0x0], $0xffff  }
0x1f0: {  	v28 =	vld.idx.msk [tilespmem:v46+s18+$0x0], $0xffff;
	[tilespmem:s0+$0xFFFFFFA0] =	vst v25  }
0x1f1: {  	v25 =	vld.idx.msk [tilespmem:v47+s18+$0x0], $0xffff;
	[tilespmem:s0+$0xF0] =	vst v21  }
0x1f2: {  	[tilespmem:s0+$0xFFFFFFB0] =	vst v22;
	v21 =	vld.idx.msk [tilespmem:v26+s18+$0x0], $0xffff  }
0x1f3: {  	v22 =	vld.idx.msk [tilespmem:v48+s18+$0x0], $0xffff;
	[tilespmem:s0+$0xFFFFFFC0] =	vst v24  }
0x1f4: {  	v3 =	vor.u32 $0x380, v3;
	v24 =	vld.idx.msk [tilespmem:v49+s18+$0x0], $0xffff;
	[tilespmem:s0+$0xFFFFFFD0] =	vst v27  }
0x1f5: {  	v26 =	vld.idx.msk [tilespmem:v50+s18+$0x0], $0xffff;
	[tilespmem:s0+$0xFFFFFFE0] =	vst v23  }
0x1f6: {  	[tilespmem:s0+$0x0] =	vst v28;
	v23 =	vld.idx.msk [tilespmem:v51+s18+$0x0], $0xffff  }
0x1f7: {  	[tilespmem:s0+$0x10] =	vst v25;
	v25 =	vld.idx.msk [tilespmem:v53+s18+$0x0], $0xffff  }
0x1f8: {  	v27 =	vld.idx.msk [tilespmem:v52+s18+$0x0], $0xffff;
	[tilespmem:s0+$0x170] =	vst v21  }
0x1f9: {  	[tilespmem:s0+$0x20] =	vst v22;
	v3 =	vld.idx.msk [tilespmem:v3+s18+$0x0], $0xffff  }
0x1fa: {  	v18 =	vld.idx.msk [tilespmem:v18+s18+$0x0], $0xffff;
	[tilespmem:s0+$0x30] =	vst v24  }
0x1fb: {  	v20 =	vld.idx.msk [tilespmem:v20+s18+$0x0], $0xffff;
	[tilespmem:s0+$0x40] =	vst v26  }
0x1fc: {  	v19 =	vld.idx.msk [tilespmem:v19+s18+$0x0], $0xffff;
	[tilespmem:s0+$0x50] =	vst v23  }
0x1fd: {  	v21 =	vld.idx.msk [tilespmem:v15+s18+$0x0], $0xffff;
	[tilespmem:s0+$0x60] =	vst v25  }
0x1fe: {  	[tilespmem:s0+$0x80] =	vst v27;
	v17 =	vld.idx.msk [tilespmem:v17+s18+$0x0], $0xffff  }
0x1ff: {  	v15 =	vld.idx.msk [tilespmem:v16+s18+$0x0], $0xffff;
	[tilespmem:s0+$0x1F0] =	vst v3  }
.Ltmp5:
0x200: {  	v14 =	vld.idx.msk [tilespmem:v14+s18+$0x0], $0xffff;
	[tilespmem:s0+$0x90] =	vst v18;
	(pc) =	sbr.rel @p0 .LBB2_11-.Ltmp5, $4  }
0x201: {  	v13 =	vld.idx.msk [tilespmem:v13+s18+$0x0], $0xffff;
	[tilespmem:s0+$0xA0] =	vst v20  }
0x202: {  	v16 =	vld.idx.msk [tilespmem:v10+s18+$0x0], $0xffff;
	[tilespmem:s0+$0xB0] =	vst v19  }
0x203: {  	v3 =	vld.idx.msk [tilespmem:v12+s18+$0x0], $0xffff;
	[tilespmem:s0+$0xC0] =	vst v21  }
0x204: {  	s8 =	sadd.s32 $0x80, s8;
	v10 =	vld.idx.msk [tilespmem:v11+s18+$0x0], $0xffff;
	[tilespmem:s0+$0xD0] =	vst v17  }
0x205: {  	_ =	sdelay $0x2  }
0x206: {  	[tilespmem:s0+$0xE0] =	vst v15  }
0x207: {  	[tilespmem:s0+$0x100] =	vst v14;
	v8 =	vld.idx.msk [tilespmem:v8+s18+$0x0], $0xffff  }
0x208: {  	[tilespmem:s0+$0x110] =	vst v13;
	v9 =	vld.idx.msk [tilespmem:v9+s18+$0x0], $0xffff  }
0x209: {  	v7 =	vld.idx.msk [tilespmem:v7+s18+$0x0], $0xffff;
	[tilespmem:s0+$0x120] =	vst v16  }
0x20a: {  	v63 =	vld.idx.msk [tilespmem:v6+s18+$0x0], $0xffff;
	[tilespmem:s0+$0x130] =	vst v3  }
0x20b: {  	v5 =	vld.idx.msk [tilespmem:v5+s18+$0x0], $0xffff;
	[tilespmem:s0+$0x140] =	vst v10  }
0x20c: {  	v4 =	vld.idx.msk [tilespmem:v4+s18+$0x0], $0xffff;
	[tilespmem:s0+$0x150] =	vst v8  }
0x20d: {  	v2 =	vld.idx.msk [tilespmem:v2+s18+$0x0], $0xffff;
	[tilespmem:s0+$0x160] =	vst v9  }
0x20e: {  	[tilespmem:s0+$0x180] =	vst v7;
	v1 =	vld.idx.msk [tilespmem:v1+s18+$0x0], $0xffff  }
0x20f: {  	s30 =	sadd.s32 $0x1, s30;
	[tilespmem:s2+$0x190] =	vst v63;
	v0 =	vld.idx.msk [tilespmem:v0+s18+$0x0], $0xffff  }
0x210: {  	p0 =	sne.s32 s30, $0x15;
	[tilespmem:s2+$0x1A0] =	vst v5  }
.Ltmp6:
0x211: {  	[tilespmem:s2+$0x1B0] =	vst v4;
	(pc) =	sbr.rel @p0 .LBB2_2-.Ltmp6, $4  }
0x212: {  	[tilespmem:s2+$0x1C0] =	vst v2  }
0x213: {  	[tilespmem:s2+$0x1D0] =	vst v1  }
0x214: {  	s31 =	sadd.s32 s4, s31;
	[tilespmem:s2+$0x1E0] =	vst v0  }
0x215: {  	[hbm4b:s31+s5] =	stream.linear.scatter [tilespmem:s25], [sflag:$0x6], $0x4000, $0x38;
	[tilespmem:$0x18800] =	vst v63  }
0x216: {  	_ =	swait.ge [sflag:s19], $0x4000  }
0x217: {  	[sflag:s19] =	ssyncset.done $0x0  }
0x218: {  	[sflag:s19] =	ssyncadd.s32 $0xFFFFC000  }
0x219: {  	_ =	swait.ge [sflag:s26], $0x4000  }
0x21a: {  	[sflag:s26] =	ssyncset.done $0x0  }
0x21b: {  	s0 =	simm.s32 $0x40;
	[sflag:s26] =	ssyncadd.s32 $0xFFFFC000  }
0x21c: {  	v0 =	vld [tilespmem:s0+$0x30];
	_ =	sdelay $0x3  }
0x21d: {  	v1 =	vld [tilespmem:s0+$0xFFFFFFD0]  }
0x21e: {  	v2 =	vshll.u32 v0, $0x3  }
0x21f: {  	v3 =	vld [tilespmem:s0+$0xFFFFFFE0];
	v0 =	vand.u32 $0x7F, v0;
	v2 =	vand.u32 $0xFFFFFC00, v2  }
0x220: {  	v5 =	vld [tilespmem:s0+$0xFFFFFFC0];
	v4 =	vor.u32 v0, v2;
	_ =	sdelay $0x1  }
0x221: {  	v2 =	vld [tilespmem:s0+$0xFFFFFFF0];
	v0 =	vshll.u32 v1, $0x3  }
0x222: {  	v7 =	vld [tilespmem:s0+$0x10];
	v1 =	vand.u32 $0x7F, v1;
	v8 =	vand.u32 $0xFFFFFC00, v0  }
0x223: {  	v6 =	vld [tilespmem:s0+$0x0];
	v0 =	vshll.u32 v3, $0x3;
	v1 =	vor.u32 v1, v8  }
0x224: {  	v11 =	vor.u32 $0x80, v4;
	v9 =	vand.u32 $0xFFFFFC00, v0;
	v0 =	vshll.u32 v5, $0x3;
	v10 =	vld.idx.msk [tilespmem:v4+s15+$0x0], $0xffff  }
0x225: {  	v12 =	vld [tilespmem:s0+$0x20];
	v3 =	vand.u32 $0x7F, v3;
	v5 =	vand.u32 $0x7F, v5;
	v0 =	vand.u32 $0xFFFFFC00, v0  }
0x226: {  	v0 =	vor.u32 v5, v0;
	v13 =	vshll.u32 v2, $0x3;
	v8 =	vand.u32 $0x7F, v2  }
0x227: {  	v2 =	vor.u32 v3, v9;
	v9 =	vshll.u32 v7, $0x3;
	v5 =	vand.u32 $0xFFFFFC00, v13  }
0x228: {  	s0 =	simm.s32 $0xCA00;
	v13 =	vshll.u32 v6, $0x3;
	v3 =	vor.u32 v8, v5;
	v5 =	vand.u32 $0xFFFFFC00, v9;
	v9 =	vld.idx.msk [tilespmem:v1+s15+$0x0], $0xffff  }
0x229: {  	v15 =	vor.u32 $0x80, v1;
	v6 =	vand.u32 $0x7F, v6;
	v13 =	vand.u32 $0xFFFFFC00, v13;
	[tilespmem:s0+$0xFFFFFE70] =	vst v10  }
0x22a: {  	v7 =	vand.u32 $0x7F, v7;
	v8 =	vshll.u32 v12, $0x3;
	v10 =	vor.u32 v6, v13;
	v6 =	vld.idx.msk [tilespmem:v11+s15+$0x0], $0xffff  }
0x22b: {  	v11 =	vor.u32 v7, v5;
	v5 =	vld.idx.msk [tilespmem:v0+s15+$0x0], $0xffff;
	v7 =	vand.u32 $0xFFFFFC00, v8;
	v8 =	vand.u32 $0x7F, v12  }
0x22c: {  	v13 =	vor.u32 $0x100, v4;
	v12 =	vor.u32 v8, v7;
	v7 =	vld.idx.msk [tilespmem:v2+s15+$0x0], $0xffff  }
0x22d: {  	v8 =	vor.u32 $0x80, v0;
	v14 =	vld.idx.msk [tilespmem:v3+s15+$0x0], $0xffff;
	[tilespmem:s0+$0xFFFFFE10] =	vst v9  }
0x22e: {  	v15 =	vld.idx.msk [tilespmem:v15+s15+$0x0], $0xffff  }
0x22f: {  	v17 =	vor.u32 $0x80, v2;
	v16 =	vld.idx.msk [tilespmem:v10+s15+$0x0], $0xffff  }
0x230: {  	v18 =	vld.idx.msk [tilespmem:v11+s15+$0x0], $0xffff;
	[tilespmem:s0+$0xFFFFFEF0] =	vst v6;
	v6 =	vor.u32 $0x80, v3  }
0x231: {  	[tilespmem:s0+$0xFFFFFE00] =	vst v5;
	v5 =	vld.idx.msk [tilespmem:v13+s15+$0x0], $0xffff;
	v13 =	vor.u32 $0x80, v10  }
0x232: {  	v19 =	vor.u32 $0x80, v11;
	v8 =	vld.idx.msk [tilespmem:v8+s15+$0x0], $0xffff;
	[tilespmem:s0+$0xFFFFFE20] =	vst v7  }
0x233: {  	v9 =	vld.idx.msk [tilespmem:v12+s15+$0x0], $0xffff;
	v7 =	vor.u32 $0x180, v4;
	[tilespmem:s0+$0xFFFFFE30] =	vst v14  }
0x234: {  	v14 =	vor.u32 $0x80, v12;
	v17 =	vld.idx.msk [tilespmem:v17+s15+$0x0], $0xffff;
	[tilespmem:s0+$0xFFFFFE40] =	vst v16  }
0x235: {  	v16 =	vor.u32 $0x100, v0;
	v6 =	vld.idx.msk [tilespmem:v6+s15+$0x0], $0xffff;
	[tilespmem:s0+$0xFFFFFE50] =	vst v18  }
0x236: {  	v18 =	vor.u32 $0x100, v1;
	v13 =	vld.idx.msk [tilespmem:v13+s15+$0x0], $0xffff;
	[tilespmem:s0+$0xFFFFFF70] =	vst v5  }
0x237: {  	v5 =	vor.u32 $0x100, v2;
	[tilespmem:s0+$0xFFFFFE80] =	vst v8;
	v8 =	vld.idx.msk [tilespmem:v19+s15+$0x0], $0xffff  }
0x238: {  	[tilespmem:s0+$0xFFFFFE60] =	vst v9;
	v9 =	vor.u32 $0x100, v3;
	v7 =	vld.idx.msk [tilespmem:v7+s15+$0x0], $0xffff  }
0x239: {  	[tilespmem:s0+$0xFFFFFE90] =	vst v15;
	v19 =	vor.u32 $0x100, v10;
	v14 =	vld.idx.msk [tilespmem:v14+s15+$0x0], $0xffff  }
0x23a: {  	[tilespmem:s0+$0xFFFFFEA0] =	vst v17;
	v17 =	vor.u32 $0x100, v11;
	v16 =	vld.idx.msk [tilespmem:v16+s15+$0x0], $0xffff  }
0x23b: {  	v15 =	vor.u32 $0x200, v4;
	v18 =	vld.idx.msk [tilespmem:v18+s15+$0x0], $0xffff;
	[tilespmem:s0+$0xFFFFFEB0] =	vst v6  }
0x23c: {  	v6 =	vor.u32 $0x100, v12;
	v5 =	vld.idx.msk [tilespmem:v5+s15+$0x0], $0xffff;
	[tilespmem:s0+$0xFFFFFEC0] =	vst v13  }
0x23d: {  	v13 =	vor.u32 $0x180, v0;
	v9 =	vld.idx.msk [tilespmem:v9+s15+$0x0], $0xffff;
	[tilespmem:s0+$0xFFFFFED0] =	vst v8  }
0x23e: {  	[tilespmem:s0+$0xFFFFFFF0] =	vst v7;
	v7 =	vor.u32 $0x180, v1;
	v19 =	vld.idx.msk [tilespmem:v19+s15+$0x0], $0xffff  }
0x23f: {  	[tilespmem:s0+$0xFFFFFEE0] =	vst v14;
	v14 =	vld.idx.msk [tilespmem:v17+s15+$0x0], $0xffff;
	v17 =	vor.u32 $0x180, v3  }
0x240: {  	v8 =	vld.idx.msk [tilespmem:v15+s15+$0x0], $0xffff;
	v15 =	vor.u32 $0x180, v2;
	[tilespmem:s0+$0xFFFFFF00] =	vst v16  }
0x241: {  	v16 =	vor.u32 $0x280, v4;
	[tilespmem:s0+$0xFFFFFF10] =	vst v18;
	v6 =	vld.idx.msk [tilespmem:v6+s15+$0x0], $0xffff  }
0x242: {  	v18 =	vor.u32 $0x180, v10;
	v13 =	vld.idx.msk [tilespmem:v13+s15+$0x0], $0xffff;
	[tilespmem:s0+$0xFFFFFF20] =	vst v5  }
0x243: {  	v5 =	vor.u32 $0x180, v11;
	[tilespmem:s0+$0xFFFFFF30] =	vst v9;
	v7 =	vld.idx.msk [tilespmem:v7+s15+$0x0], $0xffff  }
0x244: {  	v9 =	vor.u32 $0x180, v12;
	[tilespmem:s0+$0xFFFFFF40] =	vst v19;
	v17 =	vld.idx.msk [tilespmem:v17+s15+$0x0], $0xffff  }
0x245: {  	v15 =	vld.idx.msk [tilespmem:v15+s15+$0x0], $0xffff;
	[tilespmem:s0+$0x70] =	vst v8;
	v8 =	vor.u32 $0x200, v0  }
0x246: {  	v19 =	vor.u32 $0x200, v1;
	[tilespmem:s0+$0xFFFFFF50] =	vst v14;
	v16 =	vld.idx.msk [tilespmem:v16+s15+$0x0], $0xffff  }
0x247: {  	v14 =	vld.idx.msk [tilespmem:v18+s15+$0x0], $0xffff;
	[tilespmem:s0+$0xFFFFFF60] =	vst v6;
	v6 =	vor.u32 $0x300, v4  }
0x248: {  	v18 =	vor.u32 $0x200, v2;
	[tilespmem:s0+$0xFFFFFF80] =	vst v13;
	v5 =	vld.idx.msk [tilespmem:v5+s15+$0x0], $0xffff  }
0x249: {  	v13 =	vor.u32 $0x200, v3;
	[tilespmem:s0+$0xFFFFFF90] =	vst v7;
	v7 =	vld.idx.msk [tilespmem:v9+s15+$0x0], $0xffff  }
0x24a: {  	v9 =	vor.u32 $0x200, v10;
	v8 =	vld.idx.msk [tilespmem:v8+s15+$0x0], $0xffff;
	[tilespmem:s0+$0xFFFFFFA0] =	vst v15  }
0x24b: {  	v15 =	vor.u32 $0x200, v11;
	v19 =	vld.idx.msk [tilespmem:v19+s15+$0x0], $0xffff;
	[tilespmem:s0+$0xF0] =	vst v16  }
0x24c: {  	[tilespmem:s0+$0xFFFFFFB0] =	vst v17;
	v16 =	vor.u32 $0x200, v12;
	v6 =	vld.idx.msk [tilespmem:v6+s15+$0x0], $0xffff  }
0x24d: {  	v17 =	vor.u32 $0x280, v0;
	v18 =	vld.idx.msk [tilespmem:v18+s15+$0x0], $0xffff;
	[tilespmem:s0+$0xFFFFFFC0] =	vst v14  }
0x24e: {  	v4 =	vor.u32 $0x380, v4;
	v13 =	vld.idx.msk [tilespmem:v13+s15+$0x0], $0xffff;
	[tilespmem:s0+$0xFFFFFFD0] =	vst v5  }
0x24f: {  	v5 =	vor.u32 $0x280, v1;
	v9 =	vld.idx.msk [tilespmem:v9+s15+$0x0], $0xffff;
	[tilespmem:s0+$0xFFFFFFE0] =	vst v7  }
0x250: {  	v7 =	vor.u32 $0x280, v2;
	[tilespmem:s0+$0x0] =	vst v8;
	v8 =	vld.idx.msk [tilespmem:v15+s15+$0x0], $0xffff  }
0x251: {  	v14 =	vor.u32 $0x280, v3;
	[tilespmem:s0+$0x10] =	vst v19;
	v15 =	vld.idx.msk [tilespmem:v16+s15+$0x0], $0xffff  }
0x252: {  	v16 =	vor.u32 $0x280, v10;
	v17 =	vld.idx.msk [tilespmem:v17+s15+$0x0], $0xffff;
	[tilespmem:s0+$0x170] =	vst v6  }
0x253: {  	v6 =	vor.u32 $0x280, v11;
	[tilespmem:s0+$0x20] =	vst v18;
	v4 =	vld.idx.msk [tilespmem:v4+s15+$0x0], $0xffff  }
0x254: {  	v18 =	vor.u32 $0x280, v12;
	v5 =	vld.idx.msk [tilespmem:v5+s15+$0x0], $0xffff;
	[tilespmem:s0+$0x30] =	vst v13  }
0x255: {  	v13 =	vor.u32 $0x300, v0;
	v7 =	vld.idx.msk [tilespmem:v7+s15+$0x0], $0xffff;
	[tilespmem:s0+$0x40] =	vst v9  }
0x256: {  	v9 =	vor.u32 $0x300, v1;
	v19 =	vld.idx.msk [tilespmem:v14+s15+$0x0], $0xffff;
	[tilespmem:s0+$0x50] =	vst v8  }
0x257: {  	v20 =	vor.u32 $0x300, v2;
	v21 =	vld.idx.msk [tilespmem:v16+s15+$0x0], $0xffff;
	[tilespmem:s0+$0x60] =	vst v15  }
0x258: {  	v22 =	vor.u32 $0x300, v3;
	[tilespmem:s0+$0x80] =	vst v17;
	v17 =	vld.idx.msk [tilespmem:v6+s15+$0x0], $0xffff  }
0x259: {  	v23 =	vor.u32 $0x300, v10;
	v15 =	vld.idx.msk [tilespmem:v18+s15+$0x0], $0xffff;
	[tilespmem:s0+$0x1F0] =	vst v4  }
0x25a: {  	v14 =	vld.idx.msk [tilespmem:v13+s15+$0x0], $0xffff;
	[tilespmem:s0+$0x90] =	vst v5  }
0x25b: {  	v13 =	vld.idx.msk [tilespmem:v9+s15+$0x0], $0xffff;
	[tilespmem:s0+$0xA0] =	vst v7  }
0x25c: {  	v8 =	vor.u32 $0x300, v11;
	v6 =	vor.u32 $0x380, v1;
	v1 =	vor.u32 $0x380, v11;
	[tilespmem:s0+$0xB0] =	vst v19;
	v16 =	vld.idx.msk [tilespmem:v20+s15+$0x0], $0xffff  }
0x25d: {  	v5 =	vor.u32 $0x380, v2;
	v4 =	vor.u32 $0x380, v3;
	v2 =	vor.u32 $0x380, v10;
	v3 =	vld.idx.msk [tilespmem:v22+s15+$0x0], $0xffff;
	[tilespmem:s0+$0xC0] =	vst v21  }
0x25e: {  	s3 =	simm.s32 $0x0;
	s8 =	simm.s32 $0xC0;
	s2 =	simm.s32 $0xCA00;
	v7 =	vor.u32 $0x380, v0;
	v9 =	vor.u32 $0x300, v12;
	v0 =	vor.u32 $0x380, v12;
	v10 =	vld.idx.msk [tilespmem:v23+s15+$0x0], $0xffff;
	[tilespmem:s0+$0xD0] =	vst v17  }
.LBB2_14:
0x25f: {  	v11 =	vld [tilespmem:s8+$0x30];
	s3 =	sadd.s32 $0x8, s3;
	[tilespmem:s0+$0xE0] =	vst v15  }
0x260: {  	v12 =	vld [tilespmem:s8+$0xFFFFFFD0];
	p0 =	slt.u32 s3, $0x78;
	[tilespmem:s0+$0x100] =	vst v14  }
0x261: {  	v14 =	vld [tilespmem:s8+$0xFFFFFFE0];
	[tilespmem:s0+$0x110] =	vst v13  }
0x262: {  	v13 =	vld [tilespmem:s8+$0xFFFFFFF0];
	[tilespmem:s0+$0x120] =	vst v16  }
0x263: {  	v15 =	vld [tilespmem:s8+$0x0];
	[tilespmem:s0+$0x130] =	vst v3  }
0x264: {  	v16 =	vld [tilespmem:s8+$0x10];
	v3 =	vshll.u32 v11, $0x3;
	[tilespmem:s0+$0x140] =	vst v10  }
0x265: {  	v11 =	vand.u32 $0x7F, v11;
	v10 =	vshll.u32 v12, $0x3;
	v17 =	vld [tilespmem:s8+$0x20];
	v3 =	vand.u32 $0xFFFFFC00, v3  }
0x266: {  	v18 =	vld [tilespmem:s8+$0xFFFFFFC0];
	v10 =	vand.u32 $0xFFFFFC00, v10;
	v19 =	vshll.u32 v14, $0x3;
	v3 =	vor.u32 v11, v3  }
0x267: {  	v11 =	vand.u32 $0x7F, v12;
	v12 =	vand.u32 $0xFFFFFC00, v19;
	v19 =	vshll.u32 v13, $0x3;
	v8 =	vld.idx.msk [tilespmem:v8+s15+$0x0], $0xffff  }
0x268: {  	v14 =	vand.u32 $0x7F, v14;
	v19 =	vand.u32 $0xFFFFFC00, v19;
	v20 =	vshll.u32 v15, $0x3;
	v9 =	vld.idx.msk [tilespmem:v9+s15+$0x0], $0xffff  }
0x269: {  	v13 =	vand.u32 $0x7F, v13;
	v20 =	vand.u32 $0xFFFFFC00, v20;
	v21 =	vshll.u32 v16, $0x3;
	v7 =	vld.idx.msk [tilespmem:v7+s15+$0x0], $0xffff  }
0x26a: {  	v15 =	vand.u32 $0x7F, v15;
	v21 =	vand.u32 $0xFFFFFC00, v21;
	v22 =	vshll.u32 v17, $0x3;
	v6 =	vld.idx.msk [tilespmem:v6+s15+$0x0], $0xffff  }
0x26b: {  	v23 =	vand.u32 $0x7F, v18;
	v18 =	vshll.u32 v18, $0x3;
	v22 =	vand.u32 $0xFFFFFC00, v22;
	v24 =	vld.idx.msk [tilespmem:v3+s15+$0x0], $0xffff  }
0x26c: {  	v16 =	vand.u32 $0x7F, v16;
	v17 =	vand.u32 $0x7F, v17;
	v18 =	vand.u32 $0xFFFFFC00, v18;
	v5 =	vld.idx.msk [tilespmem:v5+s15+$0x0], $0xffff  }
0x26d: {  	v25 =	vor.u32 v11, v10;
	v10 =	vor.u32 $0x80, v3;
	v23 =	vor.u32 v23, v18;
	v4 =	vld.idx.msk [tilespmem:v4+s15+$0x0], $0xffff;
	[tilespmem:s0+$0x150] =	vst v8  }
0x26e: {  	v26 =	vor.u32 v14, v12;
	v27 =	vor.u32 v13, v19;
	v28 =	vor.u32 v15, v20;
	[tilespmem:s0+$0x160] =	vst v9  }
0x26f: {  	v21 =	vor.u32 v16, v21;
	v22 =	vor.u32 v17, v22;
	v8 =	vor.u32 $0x80, v23;
	[tilespmem:s0+$0x180] =	vst v7;
	v2 =	vld.idx.msk [tilespmem:v2+s15+$0x0], $0xffff  }
0x270: {  	v29 =	vor.u32 $0x80, v27;
	v9 =	vor.u32 $0x80, v26;
	v7 =	vor.u32 $0x80, v25;
	s0 =	sadd.s32 $0x400, s0;
	[tilespmem:s2+$0x190] =	vst v6;
	v1 =	vld.idx.msk [tilespmem:v1+s15+$0x0], $0xffff  }
0x271: {  	v30 =	vor.u32 $0x80, v28;
	v31 =	vor.u32 $0x80, v21;
	v32 =	vor.u32 $0x80, v22;
	[tilespmem:s0+$0xFFFFFE70] =	vst v24;
	v0 =	vld.idx.msk [tilespmem:v0+s15+$0x0], $0xffff  }
0x272: {  	v33 =	vor.u32 $0x100, v25;
	v34 =	vor.u32 $0x100, v26;
	v24 =	vor.u32 $0x100, v23;
	v6 =	vld.idx.msk [tilespmem:v10+s15+$0x0], $0xffff;
	[tilespmem:s2+$0x1A0] =	vst v5  }
0x273: {  	v35 =	vor.u32 $0x100, v27;
	v36 =	vor.u32 $0x100, v28;
	v37 =	vor.u32 $0x100, v21;
	v5 =	vld.idx.msk [tilespmem:v23+s15+$0x0], $0xffff;
	[tilespmem:s2+$0x1B0] =	vst v4  }
0x274: {  	v39 =	vor.u32 $0x100, v22;
	v38 =	vor.u32 $0x180, v23;
	v10 =	vor.u32 $0x100, v3;
	v4 =	vld.idx.msk [tilespmem:v25+s15+$0x0], $0xffff  }
0x275: {  	v40 =	vor.u32 $0x180, v25;
	v41 =	vor.u32 $0x180, v26;
	v42 =	vor.u32 $0x180, v27;
	v11 =	vld.idx.msk [tilespmem:v26+s15+$0x0], $0xffff;
	[tilespmem:s2+$0x1C0] =	vst v2  }
0x276: {  	v43 =	vor.u32 $0x180, v28;
	v44 =	vor.u32 $0x180, v21;
	v45 =	vor.u32 $0x180, v22;
	v2 =	vld.idx.msk [tilespmem:v27+s15+$0x0], $0xffff;
	[tilespmem:s2+$0x1D0] =	vst v1  }
0x277: {  	v47 =	vor.u32 $0x200, v25;
	v48 =	vor.u32 $0x200, v26;
	v46 =	vor.u32 $0x200, v23;
	v1 =	vld.idx.msk [tilespmem:v28+s15+$0x0], $0xffff;
	[tilespmem:s2+$0x1E0] =	vst v0;
	s2 =	smov.u32 s0  }
0x278: {  	v49 =	vor.u32 $0x200, v27;
	v50 =	vor.u32 $0x200, v28;
	v51 =	vor.u32 $0x200, v21;
	v0 =	vld.idx.msk [tilespmem:v21+s15+$0x0], $0xffff;
	[tilespmem:s0+$0xFFFFFEF0] =	vst v6  }
0x279: {  	v18 =	vor.u32 $0x280, v25;
	v53 =	vor.u32 $0x200, v22;
	v52 =	vor.u32 $0x280, v23;
	[tilespmem:s0+$0xFFFFFE00] =	vst v5;
	v54 =	vld.idx.msk [tilespmem:v10+s15+$0x0], $0xffff  }
0x27a: {  	v20 =	vor.u32 $0x280, v26;
	v19 =	vor.u32 $0x280, v27;
	v15 =	vor.u32 $0x280, v28;
	[tilespmem:s0+$0xFFFFFE10] =	vst v4;
	v55 =	vld.idx.msk [tilespmem:v22+s15+$0x0], $0xffff  }
0x27b: {  	v57 =	vor.u32 $0x180, v3;
	v17 =	vor.u32 $0x280, v21;
	v16 =	vor.u32 $0x280, v22;
	v56 =	vld.idx.msk [tilespmem:v8+s15+$0x0], $0xffff;
	[tilespmem:s0+$0xFFFFFE20] =	vst v11  }
0x27c: {  	v13 =	vor.u32 $0x300, v25;
	v14 =	vor.u32 $0x300, v23;
	v10 =	vor.u32 $0x300, v26;
	v58 =	vld.idx.msk [tilespmem:v7+s15+$0x0], $0xffff;
	[tilespmem:s0+$0xFFFFFE30] =	vst v2  }
0x27d: {  	v12 =	vor.u32 $0x300, v27;
	v11 =	vor.u32 $0x300, v28;
	v8 =	vor.u32 $0x300, v21;
	v59 =	vld.idx.msk [tilespmem:v9+s15+$0x0], $0xffff;
	[tilespmem:s0+$0xFFFFFE40] =	vst v1  }
0x27e: {  	v6 =	vor.u32 $0x380, v25;
	v7 =	vor.u32 $0x380, v23;
	v9 =	vor.u32 $0x300, v22;
	v23 =	vld.idx.msk [tilespmem:v29+s15+$0x0], $0xffff;
	[tilespmem:s0+$0xFFFFFE50] =	vst v0  }
0x27f: {  	v5 =	vor.u32 $0x380, v26;
	v4 =	vor.u32 $0x380, v27;
	v2 =	vor.u32 $0x380, v28;
	v25 =	vld.idx.msk [tilespmem:v30+s15+$0x0], $0xffff;
	[tilespmem:s0+$0xFFFFFF70] =	vst v54  }
0x280: {  	v1 =	vor.u32 $0x380, v21;
	v0 =	vor.u32 $0x380, v22;
	[tilespmem:s0+$0xFFFFFE60] =	vst v55;
	v21 =	vld.idx.msk [tilespmem:v57+s15+$0x0], $0xffff  }
0x281: {  	[tilespmem:s0+$0xFFFFFE80] =	vst v56;
	v22 =	vld.idx.msk [tilespmem:v31+s15+$0x0], $0xffff  }
0x282: {  	v27 =	vor.u32 $0x200, v3;
	[tilespmem:s0+$0xFFFFFE90] =	vst v58;
	v26 =	vld.idx.msk [tilespmem:v32+s15+$0x0], $0xffff  }
0x283: {  	v24 =	vld.idx.msk [tilespmem:v24+s15+$0x0], $0xffff;
	[tilespmem:s0+$0xFFFFFEA0] =	vst v59  }
0x284: {  	v28 =	vld.idx.msk [tilespmem:v33+s15+$0x0], $0xffff;
	[tilespmem:s0+$0xFFFFFEB0] =	vst v23  }
0x285: {  	v23 =	vld.idx.msk [tilespmem:v34+s15+$0x0], $0xffff;
	[tilespmem:s0+$0xFFFFFEC0] =	vst v25  }
0x286: {  	v25 =	vld.idx.msk [tilespmem:v35+s15+$0x0], $0xffff;
	[tilespmem:s0+$0xFFFFFFF0] =	vst v21  }
0x287: {  	[tilespmem:s0+$0xFFFFFED0] =	vst v22;
	v21 =	vld.idx.msk [tilespmem:v27+s15+$0x0], $0xffff  }
0x288: {  	v22 =	vld.idx.msk [tilespmem:v36+s15+$0x0], $0xffff;
	[tilespmem:s0+$0xFFFFFEE0] =	vst v26  }
0x289: {  	v26 =	vor.u32 $0x280, v3;
	[tilespmem:s0+$0xFFFFFF00] =	vst v24;
	v24 =	vld.idx.msk [tilespmem:v37+s15+$0x0], $0xffff  }
0x28a: {  	[tilespmem:s0+$0xFFFFFF10] =	vst v28;
	v27 =	vld.idx.msk [tilespmem:v39+s15+$0x0], $0xffff  }
0x28b: {  	v28 =	vld.idx.msk [tilespmem:v38+s15+$0x0], $0xffff;
	[tilespmem:s0+$0xFFFFFF20] =	vst v23  }
0x28c: {  	v23 =	vld.idx.msk [tilespmem:v40+s15+$0x0], $0xffff;
	[tilespmem:s0+$0xFFFFFF30] =	vst v25  }
0x28d: {  	v25 =	vld.idx.msk [tilespmem:v41+s15+$0x0], $0xffff;
	[tilespmem:s0+$0x70] =	vst v21  }
0x28e: {  	[tilespmem:s0+$0xFFFFFF40] =	vst v22;
	v21 =	vld.idx.msk [tilespmem:v26+s15+$0x0], $0xffff  }
0x28f: {  	v22 =	vld.idx.msk [tilespmem:v42+s15+$0x0], $0xffff;
	[tilespmem:s0+$0xFFFFFF50] =	vst v24  }
0x290: {  	v26 =	vor.u32 $0x300, v3;
	v24 =	vld.idx.msk [tilespmem:v43+s15+$0x0], $0xffff;
	[tilespmem:s0+$0xFFFFFF60] =	vst v27  }
0x291: {  	[tilespmem:s0+$0xFFFFFF80] =	vst v28;
	v27 =	vld.idx.msk [tilespmem:v44+s15+$0x0], $0xffff  }
0x292: {  	[tilespmem:s0+$0xFFFFFF90] =	vst v23;
	v23 =	vld.idx.msk [tilespmem:v45+s15+$0x0], $0xffff  }
0x293: {  	v28 =	vld.idx.msk [tilespmem:v46+s15+$0x0], $0xffff;
	[tilespmem:s0+$0xFFFFFFA0] =	vst v25  }
0x294: {  	v25 =	vld.idx.msk [tilespmem:v47+s15+$0x0], $0xffff;
	[tilespmem:s0+$0xF0] =	vst v21  }
0x295: {  	[tilespmem:s0+$0xFFFFFFB0] =	vst v22;
	v21 =	vld.idx.msk [tilespmem:v26+s15+$0x0], $0xffff  }
0x296: {  	v22 =	vld.idx.msk [tilespmem:v48+s15+$0x0], $0xffff;
	[tilespmem:s0+$0xFFFFFFC0] =	vst v24  }
0x297: {  	v3 =	vor.u32 $0x380, v3;
	v24 =	vld.idx.msk [tilespmem:v49+s15+$0x0], $0xffff;
	[tilespmem:s0+$0xFFFFFFD0] =	vst v27  }
0x298: {  	v26 =	vld.idx.msk [tilespmem:v50+s15+$0x0], $0xffff;
	[tilespmem:s0+$0xFFFFFFE0] =	vst v23  }
0x299: {  	[tilespmem:s0+$0x0] =	vst v28;
	v23 =	vld.idx.msk [tilespmem:v51+s15+$0x0], $0xffff  }
0x29a: {  	[tilespmem:s0+$0x10] =	vst v25;
	v25 =	vld.idx.msk [tilespmem:v53+s15+$0x0], $0xffff  }
0x29b: {  	v27 =	vld.idx.msk [tilespmem:v52+s15+$0x0], $0xffff;
	[tilespmem:s0+$0x170] =	vst v21  }
0x29c: {  	[tilespmem:s0+$0x20] =	vst v22;
	v3 =	vld.idx.msk [tilespmem:v3+s15+$0x0], $0xffff  }
0x29d: {  	v18 =	vld.idx.msk [tilespmem:v18+s15+$0x0], $0xffff;
	[tilespmem:s0+$0x30] =	vst v24  }
0x29e: {  	v20 =	vld.idx.msk [tilespmem:v20+s15+$0x0], $0xffff;
	[tilespmem:s0+$0x40] =	vst v26  }
0x29f: {  	v19 =	vld.idx.msk [tilespmem:v19+s15+$0x0], $0xffff;
	[tilespmem:s0+$0x50] =	vst v23  }
0x2a0: {  	v21 =	vld.idx.msk [tilespmem:v15+s15+$0x0], $0xffff;
	[tilespmem:s0+$0x60] =	vst v25  }
0x2a1: {  	[tilespmem:s0+$0x80] =	vst v27;
	v17 =	vld.idx.msk [tilespmem:v17+s15+$0x0], $0xffff  }
0x2a2: {  	v15 =	vld.idx.msk [tilespmem:v16+s15+$0x0], $0xffff;
	[tilespmem:s0+$0x1F0] =	vst v3  }
.Ltmp7:
0x2a3: {  	v14 =	vld.idx.msk [tilespmem:v14+s15+$0x0], $0xffff;
	[tilespmem:s0+$0x90] =	vst v18;
	(pc) =	sbr.rel @p0 .LBB2_14-.Ltmp7, $4  }
0x2a4: {  	v13 =	vld.idx.msk [tilespmem:v13+s15+$0x0], $0xffff;
	[tilespmem:s0+$0xA0] =	vst v20  }
0x2a5: {  	v16 =	vld.idx.msk [tilespmem:v10+s15+$0x0], $0xffff;
	[tilespmem:s0+$0xB0] =	vst v19  }
0x2a6: {  	v3 =	vld.idx.msk [tilespmem:v12+s15+$0x0], $0xffff;
	[tilespmem:s0+$0xC0] =	vst v21  }
0x2a7: {  	s8 =	sadd.s32 $0x80, s8;
	v10 =	vld.idx.msk [tilespmem:v11+s15+$0x0], $0xffff;
	[tilespmem:s0+$0xD0] =	vst v17  }
0x2a8: {  	_ =	sdelay $0x2  }
0x2a9: {  	[tilespmem:s0+$0xE0] =	vst v15  }
0x2aa: {  	[tilespmem:s0+$0x100] =	vst v14;
	v8 =	vld.idx.msk [tilespmem:v8+s15+$0x0], $0xffff  }
0x2ab: {  	[tilespmem:s0+$0x110] =	vst v13;
	v9 =	vld.idx.msk [tilespmem:v9+s15+$0x0], $0xffff  }
0x2ac: {  	v7 =	vld.idx.msk [tilespmem:v7+s15+$0x0], $0xffff;
	[tilespmem:s0+$0x120] =	vst v16  }
0x2ad: {  	v63 =	vld.idx.msk [tilespmem:v6+s15+$0x0], $0xffff;
	[tilespmem:s0+$0x130] =	vst v3  }
0x2ae: {  	v5 =	vld.idx.msk [tilespmem:v5+s15+$0x0], $0xffff;
	[tilespmem:s0+$0x140] =	vst v10  }
0x2af: {  	v4 =	vld.idx.msk [tilespmem:v4+s15+$0x0], $0xffff;
	[tilespmem:s0+$0x150] =	vst v8  }
0x2b0: {  	v2 =	vld.idx.msk [tilespmem:v2+s15+$0x0], $0xffff;
	[tilespmem:s0+$0x160] =	vst v9  }
0x2b1: {  	[tilespmem:s0+$0x180] =	vst v7;
	v1 =	vld.idx.msk [tilespmem:v1+s15+$0x0], $0xffff  }
0x2b2: {  	[tilespmem:s2+$0x190] =	vst v63;
	v0 =	vld.idx.msk [tilespmem:v0+s15+$0x0], $0xffff  }
0x2b3: {  	[tilespmem:s2+$0x1A0] =	vst v5  }
0x2b4: {  	[tilespmem:s2+$0x1B0] =	vst v4  }
0x2b5: {  	[tilespmem:s2+$0x1C0] =	vst v2  }
0x2b6: {  	[tilespmem:s2+$0x1D0] =	vst v1  }
0x2b7: {  	[tilespmem:s2+$0x1E0] =	vst v0  }
0x2b8: {  	s0 =	rddreg [dreg:$0x5]  }
0x2b9: {  	[hbm4b:s0+s5] =	stream.linear.scatter [tilespmem:s20], [sflag:$0x4], $0x4000, $0x38;
	[tilespmem:$0x18800] =	vst v63  }
0x2ba: {  	_ =	swait.ge [sflag:s28], $0x4000  }
0x2bb: {  	[sflag:s28] =	ssyncset.done $0x0  }
0x2bc: {  	[sflag:s28] =	ssyncadd.s32 $0xFFFFC000  }
0x2bd: {  	_ =	swait.ge [sflag:s24], $0x4000  }
0x2be: {  	[sflag:s24] =	ssyncset.done $0x0  }
0x2bf: {  	[sflag:s24] =	ssyncadd.s32 $0xFFFFC000  }
0x2c0: {  	_ =	swait.ge [sflag:s26], $0x4000  }
0x2c1: {  	s29 =	sadd.s32 $0x1, s29;
	s31 =	rddreg [dreg:$0x6]  }
0x2c2: {  	p0 =	sne.s32 s29, s31  }
.Ltmp8:
0x2c3: {  	_ = 	snop;
	(pc) =	sbr.rel @p0 .LBB2_1-.Ltmp8, $3  }
0x2c4: {  	_ =	sdelay $0x1  }
0x2c5: {  	[sflag:s26] =	ssyncset.done $0x0  }
0x2c6: {  	[sflag:s26] =	ssyncadd.s32 $0xFFFFC000  }
0x2c7: {  	_ =	sfence.sel $0x180000  }
0x2c8: {  	[bflag:$0x0] =	sbarrier.arrive $0xFFFF  }
0x2c9: {  	_ =	strace $0x90000047  }
0x2ca: {  	s0 =	stileid.u32;
	[bflag:$0x2] =	sbarrier.arrive $0xFFFF  }
0x2cb: {  	p0 =	sne.s32 s0, $0x0;
	s0 =	rddreg [dreg:$0x3]  }
0x2cc: {  	s0 =	sadd.s32 @!p0 $0x100000, s0  }
0x2cd: {  	[sflag:s0] =	ssyncadd.tile.s32 @!p0 $0x1;
	_ =	shalt  }
.Lfunc_end2:
_tile_overlayer_lowered:
.L_overlay_start_2:
0x2ce: {  	(tag) =	ssettag $0x2  }
0x2cf: {  	s0 =	rddreg [dreg:$0x0];
	s2 =	stileid.u32  }
0x2d0: {  	s1 =	rddreg [dreg:$0x1];
	p0 =	sne.s32 s2, $0x0  }
0x2d1: {  	s3 =	rddreg [dreg:$0x2];
	[bflag:$0x3] =	sbarrier.arrive $0xFFFF;
	s2 =	simm.s32 @!p0 $0x1C07  }
0x2d2: {  	[timem:s3], [sflag:s2] =	dma.local @!p0 [hbm:s0], s1  }
0x2d3: {  	s0 =	simm.s32 @!p0 $0x7  }
0x2d4: {  	_ =	swait.ge @!p0 [sflag:s0], s1  }
0x2d5: {  	s1 =	ssub.s32 @!p0 $0x0, s1;
	[sflag:s0] =	ssyncset.done @!p0 $0x0  }
0x2d6: {  	[sflag:s0] =	ssyncadd.s32 @!p0 s1  }
0x2d7: {  	[bflag:$0x3] =	sbarrier.arrive $0xFFFF  }
0x2d8: {  	_ =	shalt  }

</sc_bundles>
